<compile_context>
chip_gen: v7x
topology: tpu7x:2x2x1
jax: 0.10.2.dev20260603
libtpu: 0.0.44.dev20260713+nightly
codegen_flags: <defaults>
</compile_context>

<pallas_src>
import functools

import numpy as np
import jax
import jax.numpy as jnp
from jax import lax
from jax.experimental import pallas as pl
from jax.experimental.pallas import tpu as pltpu
from jax.experimental.pallas import tpu_sc as plsc

N_BINS = 15
N_ROWS = 65536
N_CLS = 128
NUM_WORKERS = 32
ROWS_PER_W = N_ROWS // NUM_WORKERS
RC = 16
CC = ROWS_PER_W // RC
CHUNK_WORDS = RC * N_CLS
HIST = N_CLS * N_BINS
HSZ = 4 * HIST
HSZP = HSZ + 1
UB = 8
LN2 = np.float32(0.6931471805599453)
INV15 = np.float32(1.0) / np.float32(15.0)


def _log2_poly_coeffs(deg=9):
    xs = np.linspace(1.0, 2.0, 8193)[:-1]
    cs = np.polynomial.chebyshev.Chebyshev.fit(xs, np.log2(xs), deg)
    return [np.float32(c) for c in cs.convert(kind=np.polynomial.Polynomial).coef]


_LOGC = _log2_poly_coeffs()


def _vlog(u):
    c0, c1, c2, c3, c4, c5, c6, c7, c8, c9 = _LOGC
    bits = plsc.bitcast(u, jnp.int32)
    ex = (bits >> 23) - 127
    m = plsc.bitcast((bits & 0x7FFFFF) | 0x3F800000, jnp.float32)
    m2 = m * m
    m4 = m2 * m2
    q0 = (c0 + c1 * m) + (c2 + c3 * m) * m2
    q1 = (c4 + c5 * m) + (c6 + c7 * m) * m2
    q2 = c8 + c9 * m
    acc = q0 + (q1 + q2 * m4) * m4
    return (ex.astype(jnp.float32) + acc) * LN2


def _sc_hist(logits_hbm, labels_hbm, out_hbm, buf, lbuf, h, sem):
    info = plsc.get_sparse_core_info()
    nc = info.num_cores
    wid = lax.axis_index("s") * nc + lax.axis_index("c")

    def chunk_copy(sl, ci):
        return pltpu.make_async_copy(
            logits_hbm.at[pl.ds((wid * CC + ci) * CHUNK_WORDS, CHUNK_WORDS)],
            buf.at[pl.ds(sl * CHUNK_WORDS, CHUNK_WORDS)],
            sem.at[sl])

    chunk_copy(0, 0).start()
    pltpu.sync_copy(labels_hbm.at[pl.ds(wid * ROWS_PER_W, ROWS_PER_W)], lbuf)

    def zero_body(i, carry):
        for j in range(8):
            h[pl.ds(i * 128 + j * 16, 16)] = jnp.zeros((16,), jnp.float32)
        return carry
    lax.fori_loop(0, 16 * HSZP // 128, zero_body, 0)

    def zero_tail(i, carry):
        h[pl.ds((16 * HSZP // 128) * 128 + i * 16, 16)] = jnp.zeros((16,), jnp.float32)
        return carry
    lax.fori_loop(0, (16 * HSZP % 128) // 16, zero_tail, 0)

    iota = lax.iota(jnp.int32, 16)
    ones = jnp.ones((16,), jnp.float32)
    lane_off = iota * HSZP
    neg_big = jnp.full((16,), -3.0e38, jnp.float32)
    zerov = jnp.zeros((16,), jnp.float32)

    def chunk_body(ci, carry):
        sl = lax.rem(ci, 2)
        chunk_copy(sl, ci).wait()

        @pl.when(ci + 1 < CC)
        def _start_next():
            chunk_copy(1 - sl, ci + 1).start()

        bo = sl * CHUNK_WORDS
        lv = lbuf[pl.ds(ci * RC, 16)]

        def max_body(k, ms):
            m0, m1, m2, m3 = ms
            o = bo + k * (4 * RC)
            m0 = jnp.maximum(m0, buf[pl.ds(o, 16)])
            m1 = jnp.maximum(m1, buf[pl.ds(o + RC, 16)])
            m2 = jnp.maximum(m2, buf[pl.ds(o + 2 * RC, 16)])
            m3 = jnp.maximum(m3, buf[pl.ds(o + 3 * RC, 16)])
            return (m0, m1, m2, m3)
        m0, m1, m2, m3 = lax.fori_loop(
            0, N_CLS // 4, max_body, (neg_big, neg_big, neg_big, neg_big))
        m = jnp.maximum(jnp.maximum(m0, m1), jnp.maximum(m2, m3))

        def sum_body(k, ss):
            s0, s1, s2, s3 = ss
            o = bo + k * (4 * RC)
            s0 = s0 + jnp.exp(buf[pl.ds(o, 16)] - m)
            s1 = s1 + jnp.exp(buf[pl.ds(o + RC, 16)] - m)
            s2 = s2 + jnp.exp(buf[pl.ds(o + 2 * RC, 16)] - m)
            s3 = s3 + jnp.exp(buf[pl.ds(o + 3 * RC, 16)] - m)
            return (s0, s1, s2, s3)
        s0, s1, s2, s3 = lax.fori_loop(
            0, N_CLS // 4, sum_body, (zerov, zerov, zerov, zerov))
        s = (s0 + s1) + (s2 + s3)

        logsum = _vlog(s)
        invv = 1.0 / s

        def cls_body(k, ccarry):
            ob = bo + k * (UB * RC)
            coff = k * (UB * N_BINS)
            lvm = lv - k * UB
            xs = [buf[pl.ds(ob + j * RC, 16)] for j in range(UB)]
            ts = [x - m for x in xs]
            Ss = [jnp.exp(t) * invv for t in ts]
            logSs = [t - logsum for t in ts]
            us = [jnp.maximum(1.0 - S, 1.2e-38) for S in Ss]
            log1ms = [_vlog(u) for u in us]
            for j in range(UB):
                S = Ss[j]
                b0 = jnp.minimum((S * 15.0).astype(jnp.int32), 15)
                b0f = b0.astype(jnp.float32)
                lo = b0f * INV15
                hi = (b0f + 1.0) * INV15
                b = b0 - (S <= lo).astype(jnp.int32) + (S > hi).astype(jnp.int32)
                b = jnp.clip(b, 0, N_BINS - 1)
                valid = S > 0.0
                idx = lane_off + (b + (coff + j * N_BINS))
                plsc.addupdate_scatter(h, [idx], ones, mask=valid)
                plsc.addupdate_scatter(h, [idx + HIST], log1ms[j], mask=valid)
                plsc.addupdate_scatter(h, [idx + 2 * HIST], logSs[j], mask=valid)
                ymask = valid & (lvm == j)
                plsc.addupdate_scatter(h, [idx + 3 * HIST], ones, mask=ymask)
            return ccarry

        lax.fori_loop(0, N_CLS // UB, cls_body, 0)
        return carry

    lax.fori_loop(0, CC, chunk_body, 0)

    def merge_body(p, carry):
        vs = [h[pl.ds(p * 16, 16)]]
        vs += [plsc.load_gather(h, [iota + (r * HSZP + p * 16)]) for r in range(1, 16)]
        while len(vs) > 1:
            vs = [vs[i] + vs[i + 1] for i in range(0, len(vs), 2)]
        h[pl.ds(p * 16, 16)] = vs[0]
        return carry
    lax.fori_loop(0, HSZ // 16, merge_body, 0)

    for k in range(4):
        pltpu.sync_copy(h.at[pl.ds(k * HIST, HIST)], out_hbm.at[k * NUM_WORKERS + wid])


def _tc_finish(parts_ref, o_ref):
    P = parts_ref[...]
    Hs = jnp.sum(P.reshape(4, NUM_WORKERS, HIST), axis=1)
    cnt = Hs[0:1, :]
    l0 = Hs[1:2, :]
    l1 = Hs[2:3, :]
    sy = Hs[3:4, :]
    denom = jnp.maximum(cnt, 1.0)
    c0 = jnp.clip((cnt - sy) / denom, 1e-45)
    c1 = jnp.clip(sy / denom, 1e-45)
    term = cnt * (c0 * jnp.log(c0) + c1 * jnp.log(c1)) - c0 * l0 - c1 * l1
    o_ref[...] = (jnp.sum(term) / np.float32(N_ROWS * N_CLS)).reshape(1, 1)


def kernel(logits, labels):
    lt = logits.reshape(NUM_WORKERS, CC, RC, N_CLS).transpose(0, 1, 3, 2).reshape(-1)

    mesh = plsc.VectorSubcoreMesh(core_axis_name="c", subcore_axis_name="s")
    sc_call = functools.partial(
        pl.kernel,
        mesh=mesh,
        compiler_params=pltpu.CompilerParams(needs_layout_passes=False),
        out_type=jax.ShapeDtypeStruct((4 * NUM_WORKERS, HIST), jnp.float32),
        scratch_types=[
            pltpu.VMEM((2 * CHUNK_WORDS,), jnp.float32),
            pltpu.VMEM((ROWS_PER_W,), jnp.int32),
            pltpu.VMEM((16 * HSZP,), jnp.float32),
            pltpu.SemaphoreType.DMA((2,)),
        ],
    )(_sc_hist)
    parts = sc_call(lt, labels)

    out = pl.pallas_call(
        _tc_finish,
        out_shape=jax.ShapeDtypeStruct((1, 1), jnp.float32),
    )(parts)
    return out[0, 0]

# --- scband reference (transcript-rebuilt; emitter-appended) ---
"""Pipeline reference for scband-eceloss-kl-47012712022078 (READ-ONLY COPY).

The authoritative reference and input builder live on the scoring server;
editing this copy changes nothing except your own understanding.
"""

import jax, jax.numpy as jnp
import numpy as np

N_BINS = 15


def _ece_kl(logits, labels):
    # softmax probabilities
    S = jax.nn.softmax(logits, axis=1)  # (N, C)
    N, C = S.shape
    bounds = jnp.linspace(0.0, 1.0, N_BINS + 1)
    # torch loop: in_bin = (gx > lower) & (gx <= upper)
    # searchsorted 'left' returns i with bounds[i-1] < v <= bounds[i]
    bins = jnp.clip(jnp.searchsorted(bounds, S, side='left') - 1, 0, N_BINS - 1)  # (N, C)
    # samples with gx == 0 fall in no bin in the torch code (gt is strict)
    valid = S > 0.0
    validf = valid.astype(jnp.float32)
    # classwise one-hot positive indicator y[n, c] = (labels[n] == c)
    y = (labels[:, None] == jnp.arange(C)[None, :]).astype(jnp.float32)  # (N, C)
    # flatten (class, bin) -> single histogram axis; scatter-add counts and label sums
    flat_idx = (jnp.arange(C)[None, :] * N_BINS + bins).ravel()  # (N*C,)
    counts = jnp.zeros((C * N_BINS,), jnp.float32).at[flat_idx].add(validf.ravel())
    sum_y = jnp.zeros((C * N_BINS,), jnp.float32).at[flat_idx].add((y * validf).ravel())
    denom = jnp.maximum(counts, 1.0)
    # cond_expect_in_bin over the 2-way (not-class, class) one-hot, clamped like torch
    cond = jnp.stack([(counts - sum_y) / denom, sum_y / denom], axis=1)  # (C*N_BINS, 2)
    cond = jnp.clip(cond, 1e-45, None)
    # gather each sample's bin statistics
    cond_per = cond[flat_idx].reshape(N, C, 2)  # (N, C, 2)
    # classwise_gx = [1 - gx, gx], clamped like torch per point
    p = jnp.stack([1.0 - S, S], axis=-1)  # (N, C, 2)
    p = jnp.clip(p, 1e-45, None)
    # KL(cond || point) summed over the 2 coords, per sample per class
    kl = jnp.sum(cond_per * jnp.log(cond_per / p), axis=-1)  # (N, C)
    kl = jnp.where(valid, kl, 0.0)
    per_class_ce = kl.sum(axis=0) / N  # (C,)
    return jnp.mean(per_class_ce)


def setup_inputs(seed: int = 0) -> dict:
    key = jax.random.key(seed)
    k1, k2 = jax.random.split(key)
    logits = jax.random.normal(k1, (65536, 128), dtype=jnp.float32)
    labels = jax.random.randint(k2, (65536,), 0, 128, dtype=jnp.int32)
    return {"logits": logits, "labels": labels}


def reference(logits, labels):
    return _ece_kl(logits, labels)

if __name__ == "__main__":
    import jax
    _d = setup_inputs()
    print(jax.jit(kernel)(*tuple(_d.values())))

</pallas_src>

<mosaic_0001>
#map = affine_map<(d0, d1) -> (0)>
#map1 = affine_map<(d0, d1) -> (0, 0)>
module attributes {stable_mosaic.version = 14 : i64} {
  func.func @_sc_hist(%arg0: i32, %arg1: i32, %arg2: memref<8388608xf32, #tpu.memory_space<hbm>>, %arg3: memref<65536xi32, #tpu.memory_space<hbm>>, %arg4: memref<128x1920xf32, #tpu.memory_space<hbm>>, %arg5: memref<4096xf32, #tpu.memory_space<vmem>>, %arg6: memref<2048xi32, #tpu.memory_space<vmem>>, %arg7: memref<122896xf32, #tpu.memory_space<vmem>>, %arg8: memref<2x!tpu.dma_semaphore, #tpu.memory_space<semaphore_mem>>) attributes {dimension_semantics = [#tpu.dimension_semantics<core_parallel>, #tpu.dimension_semantics<subcore_parallel>], iteration_bounds = array<i64: 2, 16>, scalar_prefetch = 0 : i64, scratch_operands = 4 : i64, tpu.core_type = #tpu.core_type<sc_vector_subcore>, window_params = [{transform_indices = #map}, {transform_indices = #map}, {transform_indices = #map1}]} {
    %mul3A = arith.constant 2 : i32
    %mul3A_0 = arith.muli %arg1, %mul3A : i32
    %add3A = arith.addi %mul3A_0, %arg0 : i32
    %mul3A_1 = arith.constant 128 : i32
    %mul3A_2 = arith.muli %add3A, %mul3A_1 : i32
    %add3A_3 = arith.constant 0 : i32
    %add3A_4 = arith.addi %mul3A_2, %add3A_3 : i32
    %mul3A_5 = arith.constant 2048 : i32
    %mul3A_6 = arith.muli %add3A_4, %mul3A_5 : i32
    %dma_start3A = arith.constant 0 : i32
    %dma_start3A_7 = arith.constant 0 : i32
    %dma_start3A_8 = tpu.memref_slice %arg5[%dma_start3A_7] : memref<4096xf32, #tpu.memory_space<vmem>> -> memref<2048xf32, #tpu.memory_space<vmem>>
    %dma_start3A_9 = tpu.memref_slice %arg2[%mul3A_6] : memref<8388608xf32, #tpu.memory_space<hbm>> -> memref<2048xf32, #tpu.memory_space<hbm>>
    %dma_start3A_10 = tpu.memref_slice %arg8[%dma_start3A] : memref<2x!tpu.dma_semaphore, #tpu.memory_space<semaphore_mem>> -> memref<1x!tpu.dma_semaphore, #tpu.memory_space<semaphore_mem>>
    %dma_start3A_11 = tpu.memref_squeeze %dma_start3A_10 : memref<1x!tpu.dma_semaphore, #tpu.memory_space<semaphore_mem>> -> memref<!tpu.dma_semaphore, #tpu.memory_space<semaphore_mem>>
    %dma_start3A_12 = arith.constant 0 : i32
    %dma_start3A_13 = tpu.memref_slice %arg5[%dma_start3A_12] : memref<4096xf32, #tpu.memory_space<vmem>> -> memref<2048xf32, #tpu.memory_space<vmem>>
    %dma_start3A_14 = tpu.memref_slice %arg2[%mul3A_6] : memref<8388608xf32, #tpu.memory_space<hbm>> -> memref<2048xf32, #tpu.memory_space<hbm>>
    tpu.enqueue_dma source(%dma_start3A_14 : memref<2048xf32, #tpu.memory_space<hbm>>) target(%dma_start3A_13 : memref<2048xf32, #tpu.memory_space<vmem>>) target_semaphore(%dma_start3A_11 : memref<!tpu.dma_semaphore, #tpu.memory_space<semaphore_mem>>)
    %mul3A_15 = arith.constant 2048 : i32
    %mul3A_16 = arith.muli %add3A, %mul3A_15 : i32
    "tpu.region"() ({
      %run_scoped3A = tpu.sem_alloc : memref<!tpu.dma_semaphore, #tpu.memory_space<semaphore_mem>>
      %dma_start3A_60 = tpu.memref_slice %arg3[%mul3A_16] : memref<65536xi32, #tpu.memory_space<hbm>> -> memref<2048xi32, #tpu.memory_space<hbm>>
      %dma_start3A_61 = tpu.memref_slice %arg3[%mul3A_16] : memref<65536xi32, #tpu.memory_space<hbm>> -> memref<2048xi32, #tpu.memory_space<hbm>>
      tpu.enqueue_dma source(%dma_start3A_61 : memref<2048xi32, #tpu.memory_space<hbm>>) target(%arg6 : memref<2048xi32, #tpu.memory_space<vmem>>) target_semaphore(%run_scoped3A : memref<!tpu.dma_semaphore, #tpu.memory_space<semaphore_mem>>)
      %dma_wait3A = tpu.memref_slice %arg3[%mul3A_16] : memref<65536xi32, #tpu.memory_space<hbm>> -> memref<2048xi32, #tpu.memory_space<hbm>>
      %dma_wait3A_62 = tpu.memref_slice %arg3[%mul3A_16] : memref<65536xi32, #tpu.memory_space<hbm>> -> memref<2048xi32, #tpu.memory_space<hbm>>
      tpu.wait_dma2 semaphore(%run_scoped3A : memref<!tpu.dma_semaphore, #tpu.memory_space<semaphore_mem>>) src(%dma_wait3A_62 : memref<2048xi32, #tpu.memory_space<hbm>>) dst(%arg6 : memref<2048xi32, #tpu.memory_space<vmem>>)
      tpu.yield
    }) : () -> ()
    %scan3A = arith.constant 0 : i32
    %scan3A_17 = arith.constant 0 : i32
    %scan3A_18 = arith.constant 960 : i32
    %scan3A_19 = arith.addi %scan3A_17, %scan3A_18 : i32
    %scan3A_20 = arith.constant 1 : i32
    scf.for %scan3A_60 = %scan3A_17 to %scan3A_19 step %scan3A_20  : i32 {
      %broadcast_in_dim3A_61 = arith.constant 0.000000e+00 : f32
      %broadcast_in_dim3A_62 = vector.broadcast %broadcast_in_dim3A_61 : f32 to vector<16xf32>
      %mul3A_63 = arith.constant 128 : i32
      %mul3A_64 = arith.muli %scan3A_60, %mul3A_63 : i32
      %add3A_65 = arith.constant 0 : i32
      %add3A_66 = arith.addi %mul3A_64, %add3A_65 : i32
      %swap3A_67 = arith.index_cast %add3A_66 : i32 to index
      %swap3A_68 = tpu.vector_load %arg7[%swap3A_67] {strides = array<i32>} : memref<122896xf32, #tpu.memory_space<vmem>>, vector<16xf32>,
      tpu.vector_store %arg7[%swap3A_67], %broadcast_in_dim3A_62 {strides = array<i32>} : memref<122896xf32, #tpu.memory_space<vmem>>, vector<16xf32>,
      %broadcast_in_dim3A_69 = arith.constant 0.000000e+00 : f32
      %broadcast_in_dim3A_70 = vector.broadcast %broadcast_in_dim3A_69 : f32 to vector<16xf32>
      %mul3A_71 = arith.constant 128 : i32
      %mul3A_72 = arith.muli %scan3A_60, %mul3A_71 : i32
      %add3A_73 = arith.constant 16 : i32
      %add3A_74 = arith.addi %mul3A_72, %add3A_73 : i32
      %swap3A_75 = arith.index_cast %add3A_74 : i32 to index
      %swap3A_76 = tpu.vector_load %arg7[%swap3A_75] {strides = array<i32>} : memref<122896xf32, #tpu.memory_space<vmem>>, vector<16xf32>,
      tpu.vector_store %arg7[%swap3A_75], %broadcast_in_dim3A_70 {strides = array<i32>} : memref<122896xf32, #tpu.memory_space<vmem>>, vector<16xf32>,
      %broadcast_in_dim3A_77 = arith.constant 0.000000e+00 : f32
      %broadcast_in_dim3A_78 = vector.broadcast %broadcast_in_dim3A_77 : f32 to vector<16xf32>
      %mul3A_79 = arith.constant 128 : i32
      %mul3A_80 = arith.muli %scan3A_60, %mul3A_79 : i32
      %add3A_81 = arith.constant 32 : i32
      %add3A_82 = arith.addi %mul3A_80, %add3A_81 : i32
      %swap3A_83 = arith.index_cast %add3A_82 : i32 to index
      %swap3A_84 = tpu.vector_load %arg7[%swap3A_83] {strides = array<i32>} : memref<122896xf32, #tpu.memory_space<vmem>>, vector<16xf32>,
      tpu.vector_store %arg7[%swap3A_83], %broadcast_in_dim3A_78 {strides = array<i32>} : memref<122896xf32, #tpu.memory_space<vmem>>, vector<16xf32>,
      %broadcast_in_dim3A_85 = arith.constant 0.000000e+00 : f32
      %broadcast_in_dim3A_86 = vector.broadcast %broadcast_in_dim3A_85 : f32 to vector<16xf32>
      %mul3A_87 = arith.constant 128 : i32
      %mul3A_88 = arith.muli %scan3A_60, %mul3A_87 : i32
      %add3A_89 = arith.constant 48 : i32
      %add3A_90 = arith.addi %mul3A_88, %add3A_89 : i32
      %swap3A_91 = arith.index_cast %add3A_90 : i32 to index
      %swap3A_92 = tpu.vector_load %arg7[%swap3A_91] {strides = array<i32>} : memref<122896xf32, #tpu.memory_space<vmem>>, vector<16xf32>,
      tpu.vector_store %arg7[%swap3A_91], %broadcast_in_dim3A_86 {strides = array<i32>} : memref<122896xf32, #tpu.memory_space<vmem>>, vector<16xf32>,
      %broadcast_in_dim3A_93 = arith.constant 0.000000e+00 : f32
      %broadcast_in_dim3A_94 = vector.broadcast %broadcast_in_dim3A_93 : f32 to vector<16xf32>
      %mul3A_95 = arith.constant 128 : i32
      %mul3A_96 = arith.muli %scan3A_60, %mul3A_95 : i32
      %add3A_97 = arith.constant 64 : i32
      %add3A_98 = arith.addi %mul3A_96, %add3A_97 : i32
      %swap3A_99 = arith.index_cast %add3A_98 : i32 to index
      %swap3A_100 = tpu.vector_load %arg7[%swap3A_99] {strides = array<i32>} : memref<122896xf32, #tpu.memory_space<vmem>>, vector<16xf32>,
      tpu.vector_store %arg7[%swap3A_99], %broadcast_in_dim3A_94 {strides = array<i32>} : memref<122896xf32, #tpu.memory_space<vmem>>, vector<16xf32>,
      %broadcast_in_dim3A_101 = arith.constant 0.000000e+00 : f32
      %broadcast_in_dim3A_102 = vector.broadcast %broadcast_in_dim3A_101 : f32 to vector<16xf32>
      %mul3A_103 = arith.constant 128 : i32
      %mul3A_104 = arith.muli %scan3A_60, %mul3A_103 : i32
      %add3A_105 = arith.constant 80 : i32
      %add3A_106 = arith.addi %mul3A_104, %add3A_105 : i32
      %swap3A_107 = arith.index_cast %add3A_106 : i32 to index
      %swap3A_108 = tpu.vector_load %arg7[%swap3A_107] {strides = array<i32>} : memref<122896xf32, #tpu.memory_space<vmem>>, vector<16xf32>,
      tpu.vector_store %arg7[%swap3A_107], %broadcast_in_dim3A_102 {strides = array<i32>} : memref<122896xf32, #tpu.memory_space<vmem>>, vector<16xf32>,
      %broadcast_in_dim3A_109 = arith.constant 0.000000e+00 : f32
      %broadcast_in_dim3A_110 = vector.broadcast %broadcast_in_dim3A_109 : f32 to vector<16xf32>
      %mul3A_111 = arith.constant 128 : i32
      %mul3A_112 = arith.muli %scan3A_60, %mul3A_111 : i32
      %add3A_113 = arith.constant 96 : i32
      %add3A_114 = arith.addi %mul3A_112, %add3A_113 : i32
      %swap3A_115 = arith.index_cast %add3A_114 : i32 to index
      %swap3A_116 = tpu.vector_load %arg7[%swap3A_115] {strides = array<i32>} : memref<122896xf32, #tpu.memory_space<vmem>>, vector<16xf32>,
      tpu.vector_store %arg7[%swap3A_115], %broadcast_in_dim3A_110 {strides = array<i32>} : memref<122896xf32, #tpu.memory_space<vmem>>, vector<16xf32>,
      %broadcast_in_dim3A_117 = arith.constant 0.000000e+00 : f32
      %broadcast_in_dim3A_118 = vector.broadcast %broadcast_in_dim3A_117 : f32 to vector<16xf32>
      %mul3A_119 = arith.constant 128 : i32
      %mul3A_120 = arith.muli %scan3A_60, %mul3A_119 : i32
      %add3A_121 = arith.constant 112 : i32
      %add3A_122 = arith.addi %mul3A_120, %add3A_121 : i32
      %swap3A_123 = arith.index_cast %add3A_122 : i32 to index
      %swap3A_124 = tpu.vector_load %arg7[%swap3A_123] {strides = array<i32>} : memref<122896xf32, #tpu.memory_space<vmem>>, vector<16xf32>,
      tpu.vector_store %arg7[%swap3A_123], %broadcast_in_dim3A_118 {strides = array<i32>} : memref<122896xf32, #tpu.memory_space<vmem>>, vector<16xf32>,
    }
    %scan3A_21 = arith.constant 960 : i32
    %scan3A_22 = arith.constant 0 : i32
    %scan3A_23 = arith.constant 0 : i32
    %broadcast_in_dim3A = arith.constant 0.000000e+00 : f32
    %broadcast_in_dim3A_24 = vector.broadcast %broadcast_in_dim3A : f32 to vector<16xf32>
    %mul3A_25 = arith.constant 16 : i32
    %mul3A_26 = arith.muli %scan3A_23, %mul3A_25 : i32
    %add3A_27 = arith.constant 122880 : i32
    %add3A_28 = arith.addi %add3A_27, %mul3A_26 : i32
    %swap3A = arith.index_cast %add3A_28 : i32 to index
    %swap3A_29 = tpu.vector_load %arg7[%swap3A] {strides = array<i32>} : memref<122896xf32, #tpu.memory_space<vmem>>, vector<16xf32>,
    tpu.vector_store %arg7[%swap3A], %broadcast_in_dim3A_24 {strides = array<i32>} : memref<122896xf32, #tpu.memory_space<vmem>>, vector<16xf32>,
    %scan3A_30 = arith.constant 1 : i32
    %iota3A = tpu.iota {dimensions = array<i32: 0>} : vector<16xi32>
    %broadcast_in_dim3A_31 = arith.constant 1.000000e+00 : f32
    %broadcast_in_dim3A_32 = vector.broadcast %broadcast_in_dim3A_31 : f32 to vector<16xf32>
    %mul3A_33 = arith.constant 7681 : i32
    %mul3A_34 = vector.broadcast %mul3A_33 : i32 to vector<16xi32>
    %mul3A_35 = arith.muli %iota3A, %mul3A_34 : vector<16xi32>
    %broadcast_in_dim3A_36 = arith.constant -3.000000e+38 : f32
    %broadcast_in_dim3A_37 = vector.broadcast %broadcast_in_dim3A_36 : f32 to vector<16xf32>
    %broadcast_in_dim3A_38 = arith.constant 0.000000e+00 : f32
    %broadcast_in_dim3A_39 = vector.broadcast %broadcast_in_dim3A_38 : f32 to vector<16xf32>
    %scan3A_40 = arith.constant 0 : i32
    %scan3A_41 = arith.constant 0 : i32
    %scan3A_42 = arith.constant 128 : i32
    %scan3A_43 = arith.addi %scan3A_41, %scan3A_42 : i32
    %scan3A_44 = arith.constant 1 : i32
    scf.for %scan3A_60 = %scan3A_41 to %scan3A_43 step %scan3A_44  : i32 {
      %rem3A = arith.constant 2 : i32
      %rem3A_61 = arith.remsi %scan3A_60, %rem3A : i32
      %mul3A_62 = arith.constant 128 : i32
      %mul3A_63 = arith.muli %add3A, %mul3A_62 : i32
      %add3A_64 = arith.addi %mul3A_63, %scan3A_60 : i32
      %mul3A_65 = arith.constant 2048 : i32
      %mul3A_66 = arith.muli %add3A_64, %mul3A_65 : i32
      %mul3A_67 = arith.constant 2048 : i32
      %mul3A_68 = arith.muli %rem3A_61, %mul3A_67 : i32
      %dma_wait3A = tpu.memref_slice %arg5[%mul3A_68] : memref<4096xf32, #tpu.memory_space<vmem>> -> memref<2048xf32, #tpu.memory_space<vmem>>
      %dma_wait3A_69 = tpu.memref_slice %arg2[%mul3A_66] : memref<8388608xf32, #tpu.memory_space<hbm>> -> memref<2048xf32, #tpu.memory_space<hbm>>
      %dma_wait3A_70 = tpu.memref_slice %arg8[%rem3A_61] : memref<2x!tpu.dma_semaphore, #tpu.memory_space<semaphore_mem>> -> memref<1x!tpu.dma_semaphore, #tpu.memory_space<semaphore_mem>>
      %dma_wait3A_71 = tpu.memref_squeeze %dma_wait3A_70 : memref<1x!tpu.dma_semaphore, #tpu.memory_space<semaphore_mem>> -> memref<!tpu.dma_semaphore, #tpu.memory_space<semaphore_mem>>
      %dma_wait3A_72 = tpu.memref_slice %arg5[%mul3A_68] : memref<4096xf32, #tpu.memory_space<vmem>> -> memref<2048xf32, #tpu.memory_space<vmem>>
      %dma_wait3A_73 = tpu.memref_slice %arg2[%mul3A_66] : memref<8388608xf32, #tpu.memory_space<hbm>> -> memref<2048xf32, #tpu.memory_space<hbm>>
      tpu.wait_dma2 semaphore(%dma_wait3A_71 : memref<!tpu.dma_semaphore, #tpu.memory_space<semaphore_mem>>) src(%dma_wait3A_73 : memref<2048xf32, #tpu.memory_space<hbm>>) dst(%dma_wait3A_72 : memref<2048xf32, #tpu.memory_space<vmem>>)
      %add3A_74 = arith.constant 1 : i32
      %add3A_75 = arith.addi %scan3A_60, %add3A_74 : i32
      %lt3A = arith.constant 128 : i32
      %lt3A_76 = arith.cmpi slt, %add3A_75, %lt3A : i32
      %convert_element_type3A = arith.extui %lt3A_76 : i1 to i32
      %cond3A = arith.constant 0 : i32
      %cond3A_77 = arith.cmpi ne, %convert_element_type3A, %cond3A : i32
      scf.if %cond3A_77 {
        %sub3A_162 = arith.constant 1 : i32
        %sub3A_163 = arith.subi %sub3A_162, %rem3A_61 : i32
        %add3A_164 = arith.constant 1 : i32
        %add3A_165 = arith.addi %scan3A_60, %add3A_164 : i32
        %mul3A_166 = arith.constant 128 : i32
        %mul3A_167 = arith.muli %add3A, %mul3A_166 : i32
        %add3A_168 = arith.addi %mul3A_167, %add3A_165 : i32
        %mul3A_169 = arith.constant 2048 : i32
        %mul3A_170 = arith.muli %add3A_168, %mul3A_169 : i32
        %mul3A_171 = arith.constant 2048 : i32
        %mul3A_172 = arith.muli %sub3A_163, %mul3A_171 : i32
        %dma_start3A_173 = tpu.memref_slice %arg5[%mul3A_172] : memref<4096xf32, #tpu.memory_space<vmem>> -> memref<2048xf32, #tpu.memory_space<vmem>>
        %dma_start3A_174 = tpu.memref_slice %arg2[%mul3A_170] : memref<8388608xf32, #tpu.memory_space<hbm>> -> memref<2048xf32, #tpu.memory_space<hbm>>
        %dma_start3A_175 = tpu.memref_slice %arg8[%sub3A_163] : memref<2x!tpu.dma_semaphore, #tpu.memory_space<semaphore_mem>> -> memref<1x!tpu.dma_semaphore, #tpu.memory_space<semaphore_mem>>
        %dma_start3A_176 = tpu.memref_squeeze %dma_start3A_175 : memref<1x!tpu.dma_semaphore, #tpu.memory_space<semaphore_mem>> -> memref<!tpu.dma_semaphore, #tpu.memory_space<semaphore_mem>>
        %dma_start3A_177 = tpu.memref_slice %arg5[%mul3A_172] : memref<4096xf32, #tpu.memory_space<vmem>> -> memref<2048xf32, #tpu.memory_space<vmem>>
        %dma_start3A_178 = tpu.memref_slice %arg2[%mul3A_170] : memref<8388608xf32, #tpu.memory_space<hbm>> -> memref<2048xf32, #tpu.memory_space<hbm>>
        tpu.enqueue_dma source(%dma_start3A_178 : memref<2048xf32, #tpu.memory_space<hbm>>) target(%dma_start3A_177 : memref<2048xf32, #tpu.memory_space<vmem>>) target_semaphore(%dma_start3A_176 : memref<!tpu.dma_semaphore, #tpu.memory_space<semaphore_mem>>)
      } else {
      }
      %mul3A_78 = arith.constant 2048 : i32
      %mul3A_79 = arith.muli %rem3A_61, %mul3A_78 : i32
      %mul3A_80 = arith.constant 16 : i32
      %mul3A_81 = arith.muli %scan3A_60, %mul3A_80 : i32
      %get3A = arith.index_cast %mul3A_81 : i32 to index
      %get3A_82 = tpu.vector_load %arg6[%get3A] {strides = array<i32>} : memref<2048xi32, #tpu.memory_space<vmem>>, vector<16xi32>,
      %scan3A_83 = arith.constant 0 : i32
      %scan3A_84 = arith.constant 32 : i32
      %scan3A_85 = arith.addi %scan3A_83, %scan3A_84 : i32
      %scan3A_86 = arith.constant 1 : i32
      %scan3A_87:4 = scf.for %scan3A_162 = %scan3A_83 to %scan3A_85 step %scan3A_86 iter_args(%scan3A_163 = %broadcast_in_dim3A_37, %scan3A_164 = %broadcast_in_dim3A_37, %scan3A_165 = %broadcast_in_dim3A_37, %scan3A_166 = %broadcast_in_dim3A_37) -> (vector<16xf32>, vector<16xf32>, vector<16xf32>, vector<16xf32>)  : i32 {
        %mul3A_167 = arith.constant 64 : i32
        %mul3A_168 = arith.muli %scan3A_162, %mul3A_167 : i32
        %add3A_169 = arith.addi %mul3A_79, %mul3A_168 : i32
        %get3A_170 = arith.index_cast %add3A_169 : i32 to index
        %get3A_171 = tpu.vector_load %arg5[%get3A_170] {strides = array<i32>} : memref<4096xf32, #tpu.memory_space<vmem>>, vector<16xf32>,
        %max3A_172 = arith.maximumf %scan3A_163, %get3A_171 : vector<16xf32>
        %add3A_173 = arith.constant 16 : i32
        %add3A_174 = arith.addi %add3A_169, %add3A_173 : i32
        %get3A_175 = arith.index_cast %add3A_174 : i32 to index
        %get3A_176 = tpu.vector_load %arg5[%get3A_175] {strides = array<i32>} : memref<4096xf32, #tpu.memory_space<vmem>>, vector<16xf32>,
        %max3A_177 = arith.maximumf %scan3A_164, %get3A_176 : vector<16xf32>
        %add3A_178 = arith.constant 32 : i32
        %add3A_179 = arith.addi %add3A_169, %add3A_178 : i32
        %get3A_180 = arith.index_cast %add3A_179 : i32 to index
        %get3A_181 = tpu.vector_load %arg5[%get3A_180] {strides = array<i32>} : memref<4096xf32, #tpu.memory_space<vmem>>, vector<16xf32>,
        %max3A_182 = arith.maximumf %scan3A_165, %get3A_181 : vector<16xf32>
        %add3A_183 = arith.constant 48 : i32
        %add3A_184 = arith.addi %add3A_169, %add3A_183 : i32
        %get3A_185 = arith.index_cast %add3A_184 : i32 to index
        %get3A_186 = tpu.vector_load %arg5[%get3A_185] {strides = array<i32>} : memref<4096xf32, #tpu.memory_space<vmem>>, vector<16xf32>,
        %max3A_187 = arith.maximumf %scan3A_166, %get3A_186 : vector<16xf32>
        scf.yield %max3A_172, %max3A_177, %max3A_182, %max3A_187 : vector<16xf32>, vector<16xf32>, vector<16xf32>, vector<16xf32>
      }
      %scan3A_88 = arith.constant 32 : i32
      %max3A = arith.maximumf %scan3A_87#0, %scan3A_87#1 : vector<16xf32>
      %max3A_89 = arith.maximumf %scan3A_87#2, %scan3A_87#3 : vector<16xf32>
      %max3A_90 = arith.maximumf %max3A, %max3A_89 : vector<16xf32>
      %scan3A_91 = arith.constant 0 : i32
      %scan3A_92 = arith.constant 32 : i32
      %scan3A_93 = arith.addi %scan3A_91, %scan3A_92 : i32
      %scan3A_94 = arith.constant 1 : i32
      %scan3A_95:4 = scf.for %scan3A_162 = %scan3A_91 to %scan3A_93 step %scan3A_94 iter_args(%scan3A_163 = %broadcast_in_dim3A_39, %scan3A_164 = %broadcast_in_dim3A_39, %scan3A_165 = %broadcast_in_dim3A_39, %scan3A_166 = %broadcast_in_dim3A_39) -> (vector<16xf32>, vector<16xf32>, vector<16xf32>, vector<16xf32>)  : i32 {
        %mul3A_167 = arith.constant 64 : i32
        %mul3A_168 = arith.muli %scan3A_162, %mul3A_167 : i32
        %add3A_169 = arith.addi %mul3A_79, %mul3A_168 : i32
        %get3A_170 = arith.index_cast %add3A_169 : i32 to index
        %get3A_171 = tpu.vector_load %arg5[%get3A_170] {strides = array<i32>} : memref<4096xf32, #tpu.memory_space<vmem>>, vector<16xf32>,
        %sub3A_172 = arith.subf %get3A_171, %max3A_90 : vector<16xf32>
        %exp3A = math.exp %sub3A_172 : vector<16xf32>
        %add3A_173 = arith.addf %scan3A_163, %exp3A : vector<16xf32>
        %add3A_174 = arith.constant 16 : i32
        %add3A_175 = arith.addi %add3A_169, %add3A_174 : i32
        %get3A_176 = arith.index_cast %add3A_175 : i32 to index
        %get3A_177 = tpu.vector_load %arg5[%get3A_176] {strides = array<i32>} : memref<4096xf32, #tpu.memory_space<vmem>>, vector<16xf32>,
        %sub3A_178 = arith.subf %get3A_177, %max3A_90 : vector<16xf32>
        %exp3A_179 = math.exp %sub3A_178 : vector<16xf32>
        %add3A_180 = arith.addf %scan3A_164, %exp3A_179 : vector<16xf32>
        %add3A_181 = arith.constant 32 : i32
        %add3A_182 = arith.addi %add3A_169, %add3A_181 : i32
        %get3A_183 = arith.index_cast %add3A_182 : i32 to index
        %get3A_184 = tpu.vector_load %arg5[%get3A_183] {strides = array<i32>} : memref<4096xf32, #tpu.memory_space<vmem>>, vector<16xf32>,
        %sub3A_185 = arith.subf %get3A_184, %max3A_90 : vector<16xf32>
        %exp3A_186 = math.exp %sub3A_185 : vector<16xf32>
        %add3A_187 = arith.addf %scan3A_165, %exp3A_186 : vector<16xf32>
        %add3A_188 = arith.constant 48 : i32
        %add3A_189 = arith.addi %add3A_169, %add3A_188 : i32
        %get3A_190 = arith.index_cast %add3A_189 : i32 to index
        %get3A_191 = tpu.vector_load %arg5[%get3A_190] {strides = array<i32>} : memref<4096xf32, #tpu.memory_space<vmem>>, vector<16xf32>,
        %sub3A_192 = arith.subf %get3A_191, %max3A_90 : vector<16xf32>
        %exp3A_193 = math.exp %sub3A_192 : vector<16xf32>
        %add3A_194 = arith.addf %scan3A_166, %exp3A_193 : vector<16xf32>
        scf.yield %add3A_173, %add3A_180, %add3A_187, %add3A_194 : vector<16xf32>, vector<16xf32>, vector<16xf32>, vector<16xf32>
      }
      %scan3A_96 = arith.constant 32 : i32
      %add3A_97 = arith.addf %scan3A_95#0, %scan3A_95#1 : vector<16xf32>
      %add3A_98 = arith.addf %scan3A_95#2, %scan3A_95#3 : vector<16xf32>
      %add3A_99 = arith.addf %add3A_97, %add3A_98 : vector<16xf32>
      %bitcast3A = vector.bitcast %add3A_99 : vector<16xf32> to vector<16xi32>
      %shift_right_arithmetic3A = arith.constant 23 : i32
      %shift_right_arithmetic3A_100 = vector.broadcast %shift_right_arithmetic3A : i32 to vector<16xi32>
      %shift_right_arithmetic3A_101 = arith.shrsi %bitcast3A, %shift_right_arithmetic3A_100 : vector<16xi32>
      %sub3A = arith.constant 127 : i32
      %sub3A_102 = vector.broadcast %sub3A : i32 to vector<16xi32>
      %sub3A_103 = arith.subi %shift_right_arithmetic3A_101, %sub3A_102 : vector<16xi32>
      %and3A = arith.constant 8388607 : i32
      %and3A_104 = vector.broadcast %and3A : i32 to vector<16xi32>
      %and3A_105 = arith.andi %bitcast3A, %and3A_104 : vector<16xi32>
      %or3A = arith.constant 1065353216 : i32
      %or3A_106 = vector.broadcast %or3A : i32 to vector<16xi32>
      %or3A_107 = arith.ori %and3A_105, %or3A_106 : vector<16xi32>
      %bitcast3A_108 = vector.bitcast %or3A_107 : vector<16xi32> to vector<16xf32>
      %mul3A_109 = arith.mulf %bitcast3A_108, %bitcast3A_108 : vector<16xf32>
      %mul3A_110 = arith.mulf %mul3A_109, %mul3A_109 : vector<16xf32>
      %mul3A_111 = arith.constant 9.12458133 : f32
      %mul3A_112 = vector.broadcast %mul3A_111 : f32 to vector<16xf32>
      %mul3A_113 = arith.mulf %mul3A_112, %bitcast3A_108 : vector<16xf32>
      %add3A_114 = arith.constant -3.57701635 : f32
      %add3A_115 = vector.broadcast %add3A_114 : f32 to vector<16xf32>
      %add3A_116 = arith.addf %add3A_115, %mul3A_113 : vector<16xf32>
      %mul3A_117 = arith.constant 13.7537308 : f32
      %mul3A_118 = vector.broadcast %mul3A_117 : f32 to vector<16xf32>
      %mul3A_119 = arith.mulf %mul3A_118, %bitcast3A_108 : vector<16xf32>
      %add3A_120 = arith.constant -12.7428932 : f32
      %add3A_121 = vector.broadcast %add3A_120 : f32 to vector<16xf32>
      %add3A_122 = arith.addf %add3A_121, %mul3A_119 : vector<16xf32>
      %mul3A_123 = arith.mulf %add3A_122, %mul3A_109 : vector<16xf32>
      %add3A_124 = arith.addf %add3A_116, %mul3A_123 : vector<16xf32>
      %mul3A_125 = arith.constant 5.84793949 : f32
      %mul3A_126 = vector.broadcast %mul3A_125 : f32 to vector<16xf32>
      %mul3A_127 = arith.mulf %mul3A_126, %bitcast3A_108 : vector<16xf32>
      %add3A_128 = arith.constant -10.6684284 : f32
      %add3A_129 = vector.broadcast %add3A_128 : f32 to vector<16xf32>
      %add3A_130 = arith.addf %add3A_129, %mul3A_127 : vector<16xf32>
      %mul3A_131 = arith.constant 0.550061226 : f32
      %mul3A_132 = vector.broadcast %mul3A_131 : f32 to vector<16xf32>
      %mul3A_133 = arith.mulf %mul3A_132, %bitcast3A_108 : vector<16xf32>
      %add3A_134 = arith.constant -2.21236944 : f32
      %add3A_135 = vector.broadcast %add3A_134 : f32 to vector<16xf32>
      %add3A_136 = arith.addf %add3A_135, %mul3A_133 : vector<16xf32>
      %mul3A_137 = arith.mulf %add3A_136, %mul3A_109 : vector<16xf32>
      %add3A_138 = arith.addf %add3A_130, %mul3A_137 : vector<16xf32>
      %mul3A_139 = arith.constant 0.0053472179 : f32
      %mul3A_140 = vector.broadcast %mul3A_139 : f32 to vector<16xf32>
      %mul3A_141 = arith.mulf %mul3A_140, %bitcast3A_108 : vector<16xf32>
      %add3A_142 = arith.constant -0.0809515193 : f32
      %add3A_143 = vector.broadcast %add3A_142 : f32 to vector<16xf32>
      %add3A_144 = arith.addf %add3A_143, %mul3A_141 : vector<16xf32>
      %mul3A_145 = arith.mulf %add3A_144, %mul3A_110 : vector<16xf32>
      %add3A_146 = arith.addf %add3A_138, %mul3A_145 : vector<16xf32>
      %mul3A_147 = arith.mulf %add3A_146, %mul3A_110 : vector<16xf32>
      %add3A_148 = arith.addf %add3A_124, %mul3A_147 : vector<16xf32>
      %convert_element_type3A_149 = arith.sitofp %sub3A_103 : vector<16xi32> to vector<16xf32>
      %add3A_150 = arith.addf %convert_element_type3A_149, %add3A_148 : vector<16xf32>
      %mul3A_151 = arith.constant 0.693147182 : f32
      %mul3A_152 = vector.broadcast %mul3A_151 : f32 to vector<16xf32>
      %mul3A_153 = arith.mulf %add3A_150, %mul3A_152 : vector<16xf32>
      %div3A = arith.constant 1.000000e+00 : f32
      %div3A_154 = vector.broadcast %div3A : f32 to vector<16xf32>
      %div3A_155 = arith.divf %div3A_154, %add3A_99 : vector<16xf32>
      %scan3A_156 = arith.constant 0 : i32
      %scan3A_157 = arith.constant 0 : i32
      %scan3A_158 = arith.constant 16 : i32
      %scan3A_159 = arith.addi %scan3A_157, %scan3A_158 : i32
      %scan3A_160 = arith.constant 1 : i32
      scf.for %scan3A_162 = %scan3A_157 to %scan3A_159 step %scan3A_160  : i32 {
        %mul3A_163 = arith.constant 128 : i32
        %mul3A_164 = arith.muli %scan3A_162, %mul3A_163 : i32
        %add3A_165 = arith.addi %mul3A_79, %mul3A_164 : i32
        %mul3A_166 = arith.constant 120 : i32
        %mul3A_167 = arith.muli %scan3A_162, %mul3A_166 : i32
        %mul3A_168 = arith.constant 8 : i32
        %mul3A_169 = arith.muli %scan3A_162, %mul3A_168 : i32
        %sub3A_170 = vector.broadcast %mul3A_169 : i32 to vector<16xi32>
        %sub3A_171 = arith.subi %get3A_82, %sub3A_170 : vector<16xi32>
        %add3A_172 = arith.constant 0 : i32
        %add3A_173 = arith.addi %add3A_165, %add3A_172 : i32
        %get3A_174 = arith.index_cast %add3A_173 : i32 to index
        %get3A_175 = tpu.vector_load %arg5[%get3A_174] {strides = array<i32>} : memref<4096xf32, #tpu.memory_space<vmem>>, vector<16xf32>,
        %add3A_176 = arith.constant 16 : i32
        %add3A_177 = arith.addi %add3A_165, %add3A_176 : i32
        %get3A_178 = arith.index_cast %add3A_177 : i32 to index
        %get3A_179 = tpu.vector_load %arg5[%get3A_178] {strides = array<i32>} : memref<4096xf32, #tpu.memory_space<vmem>>, vector<16xf32>,
        %add3A_180 = arith.constant 32 : i32
        %add3A_181 = arith.addi %add3A_165, %add3A_180 : i32
        %get3A_182 = arith.index_cast %add3A_181 : i32 to index
        %get3A_183 = tpu.vector_load %arg5[%get3A_182] {strides = array<i32>} : memref<4096xf32, #tpu.memory_space<vmem>>, vector<16xf32>,
        %add3A_184 = arith.constant 48 : i32
        %add3A_185 = arith.addi %add3A_165, %add3A_184 : i32
        %get3A_186 = arith.index_cast %add3A_185 : i32 to index
        %get3A_187 = tpu.vector_load %arg5[%get3A_186] {strides = array<i32>} : memref<4096xf32, #tpu.memory_space<vmem>>, vector<16xf32>,
        %add3A_188 = arith.constant 64 : i32
        %add3A_189 = arith.addi %add3A_165, %add3A_188 : i32
        %get3A_190 = arith.index_cast %add3A_189 : i32 to index
        %get3A_191 = tpu.vector_load %arg5[%get3A_190] {strides = array<i32>} : memref<4096xf32, #tpu.memory_space<vmem>>, vector<16xf32>,
        %add3A_192 = arith.constant 80 : i32
        %add3A_193 = arith.addi %add3A_165, %add3A_192 : i32
        %get3A_194 = arith.index_cast %add3A_193 : i32 to index
        %get3A_195 = tpu.vector_load %arg5[%get3A_194] {strides = array<i32>} : memref<4096xf32, #tpu.memory_space<vmem>>, vector<16xf32>,
        %add3A_196 = arith.constant 96 : i32
        %add3A_197 = arith.addi %add3A_165, %add3A_196 : i32
        %get3A_198 = arith.index_cast %add3A_197 : i32 to index
        %get3A_199 = tpu.vector_load %arg5[%get3A_198] {strides = array<i32>} : memref<4096xf32, #tpu.memory_space<vmem>>, vector<16xf32>,
        %add3A_200 = arith.constant 112 : i32
        %add3A_201 = arith.addi %add3A_165, %add3A_200 : i32
        %get3A_202 = arith.index_cast %add3A_201 : i32 to index
        %get3A_203 = tpu.vector_load %arg5[%get3A_202] {strides = array<i32>} : memref<4096xf32, #tpu.memory_space<vmem>>, vector<16xf32>,
        %sub3A_204 = arith.subf %get3A_175, %max3A_90 : vector<16xf32>
        %sub3A_205 = arith.subf %get3A_179, %max3A_90 : vector<16xf32>
        %sub3A_206 = arith.subf %get3A_183, %max3A_90 : vector<16xf32>
        %sub3A_207 = arith.subf %get3A_187, %max3A_90 : vector<16xf32>
        %sub3A_208 = arith.subf %get3A_191, %max3A_90 : vector<16xf32>
        %sub3A_209 = arith.subf %get3A_195, %max3A_90 : vector<16xf32>
        %sub3A_210 = arith.subf %get3A_199, %max3A_90 : vector<16xf32>
        %sub3A_211 = arith.subf %get3A_203, %max3A_90 : vector<16xf32>
        %exp3A = math.exp %sub3A_204 : vector<16xf32>
        %mul3A_212 = arith.mulf %exp3A, %div3A_155 : vector<16xf32>
        %exp3A_213 = math.exp %sub3A_205 : vector<16xf32>
        %mul3A_214 = arith.mulf %exp3A_213, %div3A_155 : vector<16xf32>
        %exp3A_215 = math.exp %sub3A_206 : vector<16xf32>
        %mul3A_216 = arith.mulf %exp3A_215, %div3A_155 : vector<16xf32>
        %exp3A_217 = math.exp %sub3A_207 : vector<16xf32>
        %mul3A_218 = arith.mulf %exp3A_217, %div3A_155 : vector<16xf32>
        %exp3A_219 = math.exp %sub3A_208 : vector<16xf32>
        %mul3A_220 = arith.mulf %exp3A_219, %div3A_155 : vector<16xf32>
        %exp3A_221 = math.exp %sub3A_209 : vector<16xf32>
        %mul3A_222 = arith.mulf %exp3A_221, %div3A_155 : vector<16xf32>
        %exp3A_223 = math.exp %sub3A_210 : vector<16xf32>
        %mul3A_224 = arith.mulf %exp3A_223, %div3A_155 : vector<16xf32>
        %exp3A_225 = math.exp %sub3A_211 : vector<16xf32>
        %mul3A_226 = arith.mulf %exp3A_225, %div3A_155 : vector<16xf32>
        %sub3A_227 = arith.subf %sub3A_204, %mul3A_153 : vector<16xf32>
        %sub3A_228 = arith.subf %sub3A_205, %mul3A_153 : vector<16xf32>
        %sub3A_229 = arith.subf %sub3A_206, %mul3A_153 : vector<16xf32>
        %sub3A_230 = arith.subf %sub3A_207, %mul3A_153 : vector<16xf32>
        %sub3A_231 = arith.subf %sub3A_208, %mul3A_153 : vector<16xf32>
        %sub3A_232 = arith.subf %sub3A_209, %mul3A_153 : vector<16xf32>
        %sub3A_233 = arith.subf %sub3A_210, %mul3A_153 : vector<16xf32>
        %sub3A_234 = arith.subf %sub3A_211, %mul3A_153 : vector<16xf32>
        %sub3A_235 = arith.constant 1.000000e+00 : f32
        %sub3A_236 = vector.broadcast %sub3A_235 : f32 to vector<16xf32>
        %sub3A_237 = arith.subf %sub3A_236, %mul3A_212 : vector<16xf32>
        %max3A_238 = arith.constant 1.200000e-38 : f32
        %max3A_239 = vector.broadcast %max3A_238 : f32 to vector<16xf32>
        %max3A_240 = arith.maximumf %sub3A_237, %max3A_239 : vector<16xf32>
        %sub3A_241 = arith.constant 1.000000e+00 : f32
        %sub3A_242 = vector.broadcast %sub3A_241 : f32 to vector<16xf32>
        %sub3A_243 = arith.subf %sub3A_242, %mul3A_214 : vector<16xf32>
        %max3A_244 = arith.constant 1.200000e-38 : f32
        %max3A_245 = vector.broadcast %max3A_244 : f32 to vector<16xf32>
        %max3A_246 = arith.maximumf %sub3A_243, %max3A_245 : vector<16xf32>
        %sub3A_247 = arith.constant 1.000000e+00 : f32
        %sub3A_248 = vector.broadcast %sub3A_247 : f32 to vector<16xf32>
        %sub3A_249 = arith.subf %sub3A_248, %mul3A_216 : vector<16xf32>
        %max3A_250 = arith.constant 1.200000e-38 : f32
        %max3A_251 = vector.broadcast %max3A_250 : f32 to vector<16xf32>
        %max3A_252 = arith.maximumf %sub3A_249, %max3A_251 : vector<16xf32>
        %sub3A_253 = arith.constant 1.000000e+00 : f32
        %sub3A_254 = vector.broadcast %sub3A_253 : f32 to vector<16xf32>
        %sub3A_255 = arith.subf %sub3A_254, %mul3A_218 : vector<16xf32>
        %max3A_256 = arith.constant 1.200000e-38 : f32
        %max3A_257 = vector.broadcast %max3A_256 : f32 to vector<16xf32>
        %max3A_258 = arith.maximumf %sub3A_255, %max3A_257 : vector<16xf32>
        %sub3A_259 = arith.constant 1.000000e+00 : f32
        %sub3A_260 = vector.broadcast %sub3A_259 : f32 to vector<16xf32>
        %sub3A_261 = arith.subf %sub3A_260, %mul3A_220 : vector<16xf32>
        %max3A_262 = arith.constant 1.200000e-38 : f32
        %max3A_263 = vector.broadcast %max3A_262 : f32 to vector<16xf32>
        %max3A_264 = arith.maximumf %sub3A_261, %max3A_263 : vector<16xf32>
        %sub3A_265 = arith.constant 1.000000e+00 : f32
        %sub3A_266 = vector.broadcast %sub3A_265 : f32 to vector<16xf32>
        %sub3A_267 = arith.subf %sub3A_266, %mul3A_222 : vector<16xf32>
        %max3A_268 = arith.constant 1.200000e-38 : f32
        %max3A_269 = vector.broadcast %max3A_268 : f32 to vector<16xf32>
        %max3A_270 = arith.maximumf %sub3A_267, %max3A_269 : vector<16xf32>
        %sub3A_271 = arith.constant 1.000000e+00 : f32
        %sub3A_272 = vector.broadcast %sub3A_271 : f32 to vector<16xf32>
        %sub3A_273 = arith.subf %sub3A_272, %mul3A_224 : vector<16xf32>
        %max3A_274 = arith.constant 1.200000e-38 : f32
        %max3A_275 = vector.broadcast %max3A_274 : f32 to vector<16xf32>
        %max3A_276 = arith.maximumf %sub3A_273, %max3A_275 : vector<16xf32>
        %sub3A_277 = arith.constant 1.000000e+00 : f32
        %sub3A_278 = vector.broadcast %sub3A_277 : f32 to vector<16xf32>
        %sub3A_279 = arith.subf %sub3A_278, %mul3A_226 : vector<16xf32>
        %max3A_280 = arith.constant 1.200000e-38 : f32
        %max3A_281 = vector.broadcast %max3A_280 : f32 to vector<16xf32>
        %max3A_282 = arith.maximumf %sub3A_279, %max3A_281 : vector<16xf32>
        %bitcast3A_283 = vector.bitcast %max3A_240 : vector<16xf32> to vector<16xi32>
        %shift_right_arithmetic3A_284 = arith.constant 23 : i32
        %shift_right_arithmetic3A_285 = vector.broadcast %shift_right_arithmetic3A_284 : i32 to vector<16xi32>
        %shift_right_arithmetic3A_286 = arith.shrsi %bitcast3A_283, %shift_right_arithmetic3A_285 : vector<16xi32>
        %sub3A_287 = arith.constant 127 : i32
        %sub3A_288 = vector.broadcast %sub3A_287 : i32 to vector<16xi32>
        %sub3A_289 = arith.subi %shift_right_arithmetic3A_286, %sub3A_288 : vector<16xi32>
        %and3A_290 = arith.constant 8388607 : i32
        %and3A_291 = vector.broadcast %and3A_290 : i32 to vector<16xi32>
        %and3A_292 = arith.andi %bitcast3A_283, %and3A_291 : vector<16xi32>
        %or3A_293 = arith.constant 1065353216 : i32
        %or3A_294 = vector.broadcast %or3A_293 : i32 to vector<16xi32>
        %or3A_295 = arith.ori %and3A_292, %or3A_294 : vector<16xi32>
        %bitcast3A_296 = vector.bitcast %or3A_295 : vector<16xi32> to vector<16xf32>
        %mul3A_297 = arith.mulf %bitcast3A_296, %bitcast3A_296 : vector<16xf32>
        %mul3A_298 = arith.mulf %mul3A_297, %mul3A_297 : vector<16xf32>
        %mul3A_299 = arith.constant 9.12458133 : f32
        %mul3A_300 = vector.broadcast %mul3A_299 : f32 to vector<16xf32>
        %mul3A_301 = arith.mulf %mul3A_300, %bitcast3A_296 : vector<16xf32>
        %add3A_302 = arith.constant -3.57701635 : f32
        %add3A_303 = vector.broadcast %add3A_302 : f32 to vector<16xf32>
        %add3A_304 = arith.addf %add3A_303, %mul3A_301 : vector<16xf32>
        %mul3A_305 = arith.constant 13.7537308 : f32
        %mul3A_306 = vector.broadcast %mul3A_305 : f32 to vector<16xf32>
        %mul3A_307 = arith.mulf %mul3A_306, %bitcast3A_296 : vector<16xf32>
        %add3A_308 = arith.constant -12.7428932 : f32
        %add3A_309 = vector.broadcast %add3A_308 : f32 to vector<16xf32>
        %add3A_310 = arith.addf %add3A_309, %mul3A_307 : vector<16xf32>
        %mul3A_311 = arith.mulf %add3A_310, %mul3A_297 : vector<16xf32>
        %add3A_312 = arith.addf %add3A_304, %mul3A_311 : vector<16xf32>
        %mul3A_313 = arith.constant 5.84793949 : f32
        %mul3A_314 = vector.broadcast %mul3A_313 : f32 to vector<16xf32>
        %mul3A_315 = arith.mulf %mul3A_314, %bitcast3A_296 : vector<16xf32>
        %add3A_316 = arith.constant -10.6684284 : f32
        %add3A_317 = vector.broadcast %add3A_316 : f32 to vector<16xf32>
        %add3A_318 = arith.addf %add3A_317, %mul3A_315 : vector<16xf32>
        %mul3A_319 = arith.constant 0.550061226 : f32
        %mul3A_320 = vector.broadcast %mul3A_319 : f32 to vector<16xf32>
        %mul3A_321 = arith.mulf %mul3A_320, %bitcast3A_296 : vector<16xf32>
        %add3A_322 = arith.constant -2.21236944 : f32
        %add3A_323 = vector.broadcast %add3A_322 : f32 to vector<16xf32>
        %add3A_324 = arith.addf %add3A_323, %mul3A_321 : vector<16xf32>
        %mul3A_325 = arith.mulf %add3A_324, %mul3A_297 : vector<16xf32>
        %add3A_326 = arith.addf %add3A_318, %mul3A_325 : vector<16xf32>
        %mul3A_327 = arith.constant 0.0053472179 : f32
        %mul3A_328 = vector.broadcast %mul3A_327 : f32 to vector<16xf32>
        %mul3A_329 = arith.mulf %mul3A_328, %bitcast3A_296 : vector<16xf32>
        %add3A_330 = arith.constant -0.0809515193 : f32
        %add3A_331 = vector.broadcast %add3A_330 : f32 to vector<16xf32>
        %add3A_332 = arith.addf %add3A_331, %mul3A_329 : vector<16xf32>
        %mul3A_333 = arith.mulf %add3A_332, %mul3A_298 : vector<16xf32>
        %add3A_334 = arith.addf %add3A_326, %mul3A_333 : vector<16xf32>
        %mul3A_335 = arith.mulf %add3A_334, %mul3A_298 : vector<16xf32>
        %add3A_336 = arith.addf %add3A_312, %mul3A_335 : vector<16xf32>
        %convert_element_type3A_337 = arith.sitofp %sub3A_289 : vector<16xi32> to vector<16xf32>
        %add3A_338 = arith.addf %convert_element_type3A_337, %add3A_336 : vector<16xf32>
        %mul3A_339 = arith.constant 0.693147182 : f32
        %mul3A_340 = vector.broadcast %mul3A_339 : f32 to vector<16xf32>
        %mul3A_341 = arith.mulf %add3A_338, %mul3A_340 : vector<16xf32>
        %bitcast3A_342 = vector.bitcast %max3A_246 : vector<16xf32> to vector<16xi32>
        %shift_right_arithmetic3A_343 = arith.constant 23 : i32
        %shift_right_arithmetic3A_344 = vector.broadcast %shift_right_arithmetic3A_343 : i32 to vector<16xi32>
        %shift_right_arithmetic3A_345 = arith.shrsi %bitcast3A_342, %shift_right_arithmetic3A_344 : vector<16xi32>
        %sub3A_346 = arith.constant 127 : i32
        %sub3A_347 = vector.broadcast %sub3A_346 : i32 to vector<16xi32>
        %sub3A_348 = arith.subi %shift_right_arithmetic3A_345, %sub3A_347 : vector<16xi32>
        %and3A_349 = arith.constant 8388607 : i32
        %and3A_350 = vector.broadcast %and3A_349 : i32 to vector<16xi32>
        %and3A_351 = arith.andi %bitcast3A_342, %and3A_350 : vector<16xi32>
        %or3A_352 = arith.constant 1065353216 : i32
        %or3A_353 = vector.broadcast %or3A_352 : i32 to vector<16xi32>
        %or3A_354 = arith.ori %and3A_351, %or3A_353 : vector<16xi32>
        %bitcast3A_355 = vector.bitcast %or3A_354 : vector<16xi32> to vector<16xf32>
        %mul3A_356 = arith.mulf %bitcast3A_355, %bitcast3A_355 : vector<16xf32>
        %mul3A_357 = arith.mulf %mul3A_356, %mul3A_356 : vector<16xf32>
        %mul3A_358 = arith.constant 9.12458133 : f32
        %mul3A_359 = vector.broadcast %mul3A_358 : f32 to vector<16xf32>
        %mul3A_360 = arith.mulf %mul3A_359, %bitcast3A_355 : vector<16xf32>
        %add3A_361 = arith.constant -3.57701635 : f32
        %add3A_362 = vector.broadcast %add3A_361 : f32 to vector<16xf32>
        %add3A_363 = arith.addf %add3A_362, %mul3A_360 : vector<16xf32>
        %mul3A_364 = arith.constant 13.7537308 : f32
        %mul3A_365 = vector.broadcast %mul3A_364 : f32 to vector<16xf32>
        %mul3A_366 = arith.mulf %mul3A_365, %bitcast3A_355 : vector<16xf32>
        %add3A_367 = arith.constant -12.7428932 : f32
        %add3A_368 = vector.broadcast %add3A_367 : f32 to vector<16xf32>
        %add3A_369 = arith.addf %add3A_368, %mul3A_366 : vector<16xf32>
        %mul3A_370 = arith.mulf %add3A_369, %mul3A_356 : vector<16xf32>
        %add3A_371 = arith.addf %add3A_363, %mul3A_370 : vector<16xf32>
        %mul3A_372 = arith.constant 5.84793949 : f32
        %mul3A_373 = vector.broadcast %mul3A_372 : f32 to vector<16xf32>
        %mul3A_374 = arith.mulf %mul3A_373, %bitcast3A_355 : vector<16xf32>
        %add3A_375 = arith.constant -10.6684284 : f32
        %add3A_376 = vector.broadcast %add3A_375 : f32 to vector<16xf32>
        %add3A_377 = arith.addf %add3A_376, %mul3A_374 : vector<16xf32>
        %mul3A_378 = arith.constant 0.550061226 : f32
        %mul3A_379 = vector.broadcast %mul3A_378 : f32 to vector<16xf32>
        %mul3A_380 = arith.mulf %mul3A_379, %bitcast3A_355 : vector<16xf32>
        %add3A_381 = arith.constant -2.21236944 : f32
        %add3A_382 = vector.broadcast %add3A_381 : f32 to vector<16xf32>
        %add3A_383 = arith.addf %add3A_382, %mul3A_380 : vector<16xf32>
        %mul3A_384 = arith.mulf %add3A_383, %mul3A_356 : vector<16xf32>
        %add3A_385 = arith.addf %add3A_377, %mul3A_384 : vector<16xf32>
        %mul3A_386 = arith.constant 0.0053472179 : f32
        %mul3A_387 = vector.broadcast %mul3A_386 : f32 to vector<16xf32>
        %mul3A_388 = arith.mulf %mul3A_387, %bitcast3A_355 : vector<16xf32>
        %add3A_389 = arith.constant -0.0809515193 : f32
        %add3A_390 = vector.broadcast %add3A_389 : f32 to vector<16xf32>
        %add3A_391 = arith.addf %add3A_390, %mul3A_388 : vector<16xf32>
        %mul3A_392 = arith.mulf %add3A_391, %mul3A_357 : vector<16xf32>
        %add3A_393 = arith.addf %add3A_385, %mul3A_392 : vector<16xf32>
        %mul3A_394 = arith.mulf %add3A_393, %mul3A_357 : vector<16xf32>
        %add3A_395 = arith.addf %add3A_371, %mul3A_394 : vector<16xf32>
        %convert_element_type3A_396 = arith.sitofp %sub3A_348 : vector<16xi32> to vector<16xf32>
        %add3A_397 = arith.addf %convert_element_type3A_396, %add3A_395 : vector<16xf32>
        %mul3A_398 = arith.constant 0.693147182 : f32
        %mul3A_399 = vector.broadcast %mul3A_398 : f32 to vector<16xf32>
        %mul3A_400 = arith.mulf %add3A_397, %mul3A_399 : vector<16xf32>
        %bitcast3A_401 = vector.bitcast %max3A_252 : vector<16xf32> to vector<16xi32>
        %shift_right_arithmetic3A_402 = arith.constant 23 : i32
        %shift_right_arithmetic3A_403 = vector.broadcast %shift_right_arithmetic3A_402 : i32 to vector<16xi32>
        %shift_right_arithmetic3A_404 = arith.shrsi %bitcast3A_401, %shift_right_arithmetic3A_403 : vector<16xi32>
        %sub3A_405 = arith.constant 127 : i32
        %sub3A_406 = vector.broadcast %sub3A_405 : i32 to vector<16xi32>
        %sub3A_407 = arith.subi %shift_right_arithmetic3A_404, %sub3A_406 : vector<16xi32>
        %and3A_408 = arith.constant 8388607 : i32
        %and3A_409 = vector.broadcast %and3A_408 : i32 to vector<16xi32>
        %and3A_410 = arith.andi %bitcast3A_401, %and3A_409 : vector<16xi32>
        %or3A_411 = arith.constant 1065353216 : i32
        %or3A_412 = vector.broadcast %or3A_411 : i32 to vector<16xi32>
        %or3A_413 = arith.ori %and3A_410, %or3A_412 : vector<16xi32>
        %bitcast3A_414 = vector.bitcast %or3A_413 : vector<16xi32> to vector<16xf32>
        %mul3A_415 = arith.mulf %bitcast3A_414, %bitcast3A_414 : vector<16xf32>
        %mul3A_416 = arith.mulf %mul3A_415, %mul3A_415 : vector<16xf32>
        %mul3A_417 = arith.constant 9.12458133 : f32
        %mul3A_418 = vector.broadcast %mul3A_417 : f32 to vector<16xf32>
        %mul3A_419 = arith.mulf %mul3A_418, %bitcast3A_414 : vector<16xf32>
        %add3A_420 = arith.constant -3.57701635 : f32
        %add3A_421 = vector.broadcast %add3A_420 : f32 to vector<16xf32>
        %add3A_422 = arith.addf %add3A_421, %mul3A_419 : vector<16xf32>
        %mul3A_423 = arith.constant 13.7537308 : f32
        %mul3A_424 = vector.broadcast %mul3A_423 : f32 to vector<16xf32>
        %mul3A_425 = arith.mulf %mul3A_424, %bitcast3A_414 : vector<16xf32>
        %add3A_426 = arith.constant -12.7428932 : f32
        %add3A_427 = vector.broadcast %add3A_426 : f32 to vector<16xf32>
        %add3A_428 = arith.addf %add3A_427, %mul3A_425 : vector<16xf32>
        %mul3A_429 = arith.mulf %add3A_428, %mul3A_415 : vector<16xf32>
        %add3A_430 = arith.addf %add3A_422, %mul3A_429 : vector<16xf32>
        %mul3A_431 = arith.constant 5.84793949 : f32
        %mul3A_432 = vector.broadcast %mul3A_431 : f32 to vector<16xf32>
        %mul3A_433 = arith.mulf %mul3A_432, %bitcast3A_414 : vector<16xf32>
        %add3A_434 = arith.constant -10.6684284 : f32
        %add3A_435 = vector.broadcast %add3A_434 : f32 to vector<16xf32>
        %add3A_436 = arith.addf %add3A_435, %mul3A_433 : vector<16xf32>
        %mul3A_437 = arith.constant 0.550061226 : f32
        %mul3A_438 = vector.broadcast %mul3A_437 : f32 to vector<16xf32>
        %mul3A_439 = arith.mulf %mul3A_438, %bitcast3A_414 : vector<16xf32>
        %add3A_440 = arith.constant -2.21236944 : f32
        %add3A_441 = vector.broadcast %add3A_440 : f32 to vector<16xf32>
        %add3A_442 = arith.addf %add3A_441, %mul3A_439 : vector<16xf32>
        %mul3A_443 = arith.mulf %add3A_442, %mul3A_415 : vector<16xf32>
        %add3A_444 = arith.addf %add3A_436, %mul3A_443 : vector<16xf32>
        %mul3A_445 = arith.constant 0.0053472179 : f32
        %mul3A_446 = vector.broadcast %mul3A_445 : f32 to vector<16xf32>
        %mul3A_447 = arith.mulf %mul3A_446, %bitcast3A_414 : vector<16xf32>
        %add3A_448 = arith.constant -0.0809515193 : f32
        %add3A_449 = vector.broadcast %add3A_448 : f32 to vector<16xf32>
        %add3A_450 = arith.addf %add3A_449, %mul3A_447 : vector<16xf32>
        %mul3A_451 = arith.mulf %add3A_450, %mul3A_416 : vector<16xf32>
        %add3A_452 = arith.addf %add3A_444, %mul3A_451 : vector<16xf32>
        %mul3A_453 = arith.mulf %add3A_452, %mul3A_416 : vector<16xf32>
        %add3A_454 = arith.addf %add3A_430, %mul3A_453 : vector<16xf32>
        %convert_element_type3A_455 = arith.sitofp %sub3A_407 : vector<16xi32> to vector<16xf32>
        %add3A_456 = arith.addf %convert_element_type3A_455, %add3A_454 : vector<16xf32>
        %mul3A_457 = arith.constant 0.693147182 : f32
        %mul3A_458 = vector.broadcast %mul3A_457 : f32 to vector<16xf32>
        %mul3A_459 = arith.mulf %add3A_456, %mul3A_458 : vector<16xf32>
        %bitcast3A_460 = vector.bitcast %max3A_258 : vector<16xf32> to vector<16xi32>
        %shift_right_arithmetic3A_461 = arith.constant 23 : i32
        %shift_right_arithmetic3A_462 = vector.broadcast %shift_right_arithmetic3A_461 : i32 to vector<16xi32>
        %shift_right_arithmetic3A_463 = arith.shrsi %bitcast3A_460, %shift_right_arithmetic3A_462 : vector<16xi32>
        %sub3A_464 = arith.constant 127 : i32
        %sub3A_465 = vector.broadcast %sub3A_464 : i32 to vector<16xi32>
        %sub3A_466 = arith.subi %shift_right_arithmetic3A_463, %sub3A_465 : vector<16xi32>
        %and3A_467 = arith.constant 8388607 : i32
        %and3A_468 = vector.broadcast %and3A_467 : i32 to vector<16xi32>
        %and3A_469 = arith.andi %bitcast3A_460, %and3A_468 : vector<16xi32>
        %or3A_470 = arith.constant 1065353216 : i32
        %or3A_471 = vector.broadcast %or3A_470 : i32 to vector<16xi32>
        %or3A_472 = arith.ori %and3A_469, %or3A_471 : vector<16xi32>
        %bitcast3A_473 = vector.bitcast %or3A_472 : vector<16xi32> to vector<16xf32>
        %mul3A_474 = arith.mulf %bitcast3A_473, %bitcast3A_473 : vector<16xf32>
        %mul3A_475 = arith.mulf %mul3A_474, %mul3A_474 : vector<16xf32>
        %mul3A_476 = arith.constant 9.12458133 : f32
        %mul3A_477 = vector.broadcast %mul3A_476 : f32 to vector<16xf32>
        %mul3A_478 = arith.mulf %mul3A_477, %bitcast3A_473 : vector<16xf32>
        %add3A_479 = arith.constant -3.57701635 : f32
        %add3A_480 = vector.broadcast %add3A_479 : f32 to vector<16xf32>
        %add3A_481 = arith.addf %add3A_480, %mul3A_478 : vector<16xf32>
        %mul3A_482 = arith.constant 13.7537308 : f32
        %mul3A_483 = vector.broadcast %mul3A_482 : f32 to vector<16xf32>
        %mul3A_484 = arith.mulf %mul3A_483, %bitcast3A_473 : vector<16xf32>
        %add3A_485 = arith.constant -12.7428932 : f32
        %add3A_486 = vector.broadcast %add3A_485 : f32 to vector<16xf32>
        %add3A_487 = arith.addf %add3A_486, %mul3A_484 : vector<16xf32>
        %mul3A_488 = arith.mulf %add3A_487, %mul3A_474 : vector<16xf32>
        %add3A_489 = arith.addf %add3A_481, %mul3A_488 : vector<16xf32>
        %mul3A_490 = arith.constant 5.84793949 : f32
        %mul3A_491 = vector.broadcast %mul3A_490 : f32 to vector<16xf32>
        %mul3A_492 = arith.mulf %mul3A_491, %bitcast3A_473 : vector<16xf32>
        %add3A_493 = arith.constant -10.6684284 : f32
        %add3A_494 = vector.broadcast %add3A_493 : f32 to vector<16xf32>
        %add3A_495 = arith.addf %add3A_494, %mul3A_492 : vector<16xf32>
        %mul3A_496 = arith.constant 0.550061226 : f32
        %mul3A_497 = vector.broadcast %mul3A_496 : f32 to vector<16xf32>
        %mul3A_498 = arith.mulf %mul3A_497, %bitcast3A_473 : vector<16xf32>
        %add3A_499 = arith.constant -2.21236944 : f32
        %add3A_500 = vector.broadcast %add3A_499 : f32 to vector<16xf32>
        %add3A_501 = arith.addf %add3A_500, %mul3A_498 : vector<16xf32>
        %mul3A_502 = arith.mulf %add3A_501, %mul3A_474 : vector<16xf32>
        %add3A_503 = arith.addf %add3A_495, %mul3A_502 : vector<16xf32>
        %mul3A_504 = arith.constant 0.0053472179 : f32
        %mul3A_505 = vector.broadcast %mul3A_504 : f32 to vector<16xf32>
        %mul3A_506 = arith.mulf %mul3A_505, %bitcast3A_473 : vector<16xf32>
        %add3A_507 = arith.constant -0.0809515193 : f32
        %add3A_508 = vector.broadcast %add3A_507 : f32 to vector<16xf32>
        %add3A_509 = arith.addf %add3A_508, %mul3A_506 : vector<16xf32>
        %mul3A_510 = arith.mulf %add3A_509, %mul3A_475 : vector<16xf32>
        %add3A_511 = arith.addf %add3A_503, %mul3A_510 : vector<16xf32>
        %mul3A_512 = arith.mulf %add3A_511, %mul3A_475 : vector<16xf32>
        %add3A_513 = arith.addf %add3A_489, %mul3A_512 : vector<16xf32>
        %convert_element_type3A_514 = arith.sitofp %sub3A_466 : vector<16xi32> to vector<16xf32>
        %add3A_515 = arith.addf %convert_element_type3A_514, %add3A_513 : vector<16xf32>
        %mul3A_516 = arith.constant 0.693147182 : f32
        %mul3A_517 = vector.broadcast %mul3A_516 : f32 to vector<16xf32>
        %mul3A_518 = arith.mulf %add3A_515, %mul3A_517 : vector<16xf32>
        %bitcast3A_519 = vector.bitcast %max3A_264 : vector<16xf32> to vector<16xi32>
        %shift_right_arithmetic3A_520 = arith.constant 23 : i32
        %shift_right_arithmetic3A_521 = vector.broadcast %shift_right_arithmetic3A_520 : i32 to vector<16xi32>
        %shift_right_arithmetic3A_522 = arith.shrsi %bitcast3A_519, %shift_right_arithmetic3A_521 : vector<16xi32>
        %sub3A_523 = arith.constant 127 : i32
        %sub3A_524 = vector.broadcast %sub3A_523 : i32 to vector<16xi32>
        %sub3A_525 = arith.subi %shift_right_arithmetic3A_522, %sub3A_524 : vector<16xi32>
        %and3A_526 = arith.constant 8388607 : i32
        %and3A_527 = vector.broadcast %and3A_526 : i32 to vector<16xi32>
        %and3A_528 = arith.andi %bitcast3A_519, %and3A_527 : vector<16xi32>
        %or3A_529 = arith.constant 1065353216 : i32
        %or3A_530 = vector.broadcast %or3A_529 : i32 to vector<16xi32>
        %or3A_531 = arith.ori %and3A_528, %or3A_530 : vector<16xi32>
        %bitcast3A_532 = vector.bitcast %or3A_531 : vector<16xi32> to vector<16xf32>
        %mul3A_533 = arith.mulf %bitcast3A_532, %bitcast3A_532 : vector<16xf32>
        %mul3A_534 = arith.mulf %mul3A_533, %mul3A_533 : vector<16xf32>
        %mul3A_535 = arith.constant 9.12458133 : f32
        %mul3A_536 = vector.broadcast %mul3A_535 : f32 to vector<16xf32>
        %mul3A_537 = arith.mulf %mul3A_536, %bitcast3A_532 : vector<16xf32>
        %add3A_538 = arith.constant -3.57701635 : f32
        %add3A_539 = vector.broadcast %add3A_538 : f32 to vector<16xf32>
        %add3A_540 = arith.addf %add3A_539, %mul3A_537 : vector<16xf32>
        %mul3A_541 = arith.constant 13.7537308 : f32
        %mul3A_542 = vector.broadcast %mul3A_541 : f32 to vector<16xf32>
        %mul3A_543 = arith.mulf %mul3A_542, %bitcast3A_532 : vector<16xf32>
        %add3A_544 = arith.constant -12.7428932 : f32
        %add3A_545 = vector.broadcast %add3A_544 : f32 to vector<16xf32>
        %add3A_546 = arith.addf %add3A_545, %mul3A_543 : vector<16xf32>
        %mul3A_547 = arith.mulf %add3A_546, %mul3A_533 : vector<16xf32>
        %add3A_548 = arith.addf %add3A_540, %mul3A_547 : vector<16xf32>
        %mul3A_549 = arith.constant 5.84793949 : f32
        %mul3A_550 = vector.broadcast %mul3A_549 : f32 to vector<16xf32>
        %mul3A_551 = arith.mulf %mul3A_550, %bitcast3A_532 : vector<16xf32>
        %add3A_552 = arith.constant -10.6684284 : f32
        %add3A_553 = vector.broadcast %add3A_552 : f32 to vector<16xf32>
        %add3A_554 = arith.addf %add3A_553, %mul3A_551 : vector<16xf32>
        %mul3A_555 = arith.constant 0.550061226 : f32
        %mul3A_556 = vector.broadcast %mul3A_555 : f32 to vector<16xf32>
        %mul3A_557 = arith.mulf %mul3A_556, %bitcast3A_532 : vector<16xf32>
        %add3A_558 = arith.constant -2.21236944 : f32
        %add3A_559 = vector.broadcast %add3A_558 : f32 to vector<16xf32>
        %add3A_560 = arith.addf %add3A_559, %mul3A_557 : vector<16xf32>
        %mul3A_561 = arith.mulf %add3A_560, %mul3A_533 : vector<16xf32>
        %add3A_562 = arith.addf %add3A_554, %mul3A_561 : vector<16xf32>
        %mul3A_563 = arith.constant 0.0053472179 : f32
        %mul3A_564 = vector.broadcast %mul3A_563 : f32 to vector<16xf32>
        %mul3A_565 = arith.mulf %mul3A_564, %bitcast3A_532 : vector<16xf32>
        %add3A_566 = arith.constant -0.0809515193 : f32
        %add3A_567 = vector.broadcast %add3A_566 : f32 to vector<16xf32>
        %add3A_568 = arith.addf %add3A_567, %mul3A_565 : vector<16xf32>
        %mul3A_569 = arith.mulf %add3A_568, %mul3A_534 : vector<16xf32>
        %add3A_570 = arith.addf %add3A_562, %mul3A_569 : vector<16xf32>
        %mul3A_571 = arith.mulf %add3A_570, %mul3A_534 : vector<16xf32>
        %add3A_572 = arith.addf %add3A_548, %mul3A_571 : vector<16xf32>
        %convert_element_type3A_573 = arith.sitofp %sub3A_525 : vector<16xi32> to vector<16xf32>
        %add3A_574 = arith.addf %convert_element_type3A_573, %add3A_572 : vector<16xf32>
        %mul3A_575 = arith.constant 0.693147182 : f32
        %mul3A_576 = vector.broadcast %mul3A_575 : f32 to vector<16xf32>
        %mul3A_577 = arith.mulf %add3A_574, %mul3A_576 : vector<16xf32>
        %bitcast3A_578 = vector.bitcast %max3A_270 : vector<16xf32> to vector<16xi32>
        %shift_right_arithmetic3A_579 = arith.constant 23 : i32
        %shift_right_arithmetic3A_580 = vector.broadcast %shift_right_arithmetic3A_579 : i32 to vector<16xi32>
        %shift_right_arithmetic3A_581 = arith.shrsi %bitcast3A_578, %shift_right_arithmetic3A_580 : vector<16xi32>
        %sub3A_582 = arith.constant 127 : i32
        %sub3A_583 = vector.broadcast %sub3A_582 : i32 to vector<16xi32>
        %sub3A_584 = arith.subi %shift_right_arithmetic3A_581, %sub3A_583 : vector<16xi32>
        %and3A_585 = arith.constant 8388607 : i32
        %and3A_586 = vector.broadcast %and3A_585 : i32 to vector<16xi32>
        %and3A_587 = arith.andi %bitcast3A_578, %and3A_586 : vector<16xi32>
        %or3A_588 = arith.constant 1065353216 : i32
        %or3A_589 = vector.broadcast %or3A_588 : i32 to vector<16xi32>
        %or3A_590 = arith.ori %and3A_587, %or3A_589 : vector<16xi32>
        %bitcast3A_591 = vector.bitcast %or3A_590 : vector<16xi32> to vector<16xf32>
        %mul3A_592 = arith.mulf %bitcast3A_591, %bitcast3A_591 : vector<16xf32>
        %mul3A_593 = arith.mulf %mul3A_592, %mul3A_592 : vector<16xf32>
        %mul3A_594 = arith.constant 9.12458133 : f32
        %mul3A_595 = vector.broadcast %mul3A_594 : f32 to vector<16xf32>
        %mul3A_596 = arith.mulf %mul3A_595, %bitcast3A_591 : vector<16xf32>
        %add3A_597 = arith.constant -3.57701635 : f32
        %add3A_598 = vector.broadcast %add3A_597 : f32 to vector<16xf32>
        %add3A_599 = arith.addf %add3A_598, %mul3A_596 : vector<16xf32>
        %mul3A_600 = arith.constant 13.7537308 : f32
        %mul3A_601 = vector.broadcast %mul3A_600 : f32 to vector<16xf32>
        %mul3A_602 = arith.mulf %mul3A_601, %bitcast3A_591 : vector<16xf32>
        %add3A_603 = arith.constant -12.7428932 : f32
        %add3A_604 = vector.broadcast %add3A_603 : f32 to vector<16xf32>
        %add3A_605 = arith.addf %add3A_604, %mul3A_602 : vector<16xf32>
        %mul3A_606 = arith.mulf %add3A_605, %mul3A_592 : vector<16xf32>
        %add3A_607 = arith.addf %add3A_599, %mul3A_606 : vector<16xf32>
        %mul3A_608 = arith.constant 5.84793949 : f32
        %mul3A_609 = vector.broadcast %mul3A_608 : f32 to vector<16xf32>
        %mul3A_610 = arith.mulf %mul3A_609, %bitcast3A_591 : vector<16xf32>
        %add3A_611 = arith.constant -10.6684284 : f32
        %add3A_612 = vector.broadcast %add3A_611 : f32 to vector<16xf32>
        %add3A_613 = arith.addf %add3A_612, %mul3A_610 : vector<16xf32>
        %mul3A_614 = arith.constant 0.550061226 : f32
        %mul3A_615 = vector.broadcast %mul3A_614 : f32 to vector<16xf32>
        %mul3A_616 = arith.mulf %mul3A_615, %bitcast3A_591 : vector<16xf32>
        %add3A_617 = arith.constant -2.21236944 : f32
        %add3A_618 = vector.broadcast %add3A_617 : f32 to vector<16xf32>
        %add3A_619 = arith.addf %add3A_618, %mul3A_616 : vector<16xf32>
        %mul3A_620 = arith.mulf %add3A_619, %mul3A_592 : vector<16xf32>
        %add3A_621 = arith.addf %add3A_613, %mul3A_620 : vector<16xf32>
        %mul3A_622 = arith.constant 0.0053472179 : f32
        %mul3A_623 = vector.broadcast %mul3A_622 : f32 to vector<16xf32>
        %mul3A_624 = arith.mulf %mul3A_623, %bitcast3A_591 : vector<16xf32>
        %add3A_625 = arith.constant -0.0809515193 : f32
        %add3A_626 = vector.broadcast %add3A_625 : f32 to vector<16xf32>
        %add3A_627 = arith.addf %add3A_626, %mul3A_624 : vector<16xf32>
        %mul3A_628 = arith.mulf %add3A_627, %mul3A_593 : vector<16xf32>
        %add3A_629 = arith.addf %add3A_621, %mul3A_628 : vector<16xf32>
        %mul3A_630 = arith.mulf %add3A_629, %mul3A_593 : vector<16xf32>
        %add3A_631 = arith.addf %add3A_607, %mul3A_630 : vector<16xf32>
        %convert_element_type3A_632 = arith.sitofp %sub3A_584 : vector<16xi32> to vector<16xf32>
        %add3A_633 = arith.addf %convert_element_type3A_632, %add3A_631 : vector<16xf32>
        %mul3A_634 = arith.constant 0.693147182 : f32
        %mul3A_635 = vector.broadcast %mul3A_634 : f32 to vector<16xf32>
        %mul3A_636 = arith.mulf %add3A_633, %mul3A_635 : vector<16xf32>
        %bitcast3A_637 = vector.bitcast %max3A_276 : vector<16xf32> to vector<16xi32>
        %shift_right_arithmetic3A_638 = arith.constant 23 : i32
        %shift_right_arithmetic3A_639 = vector.broadcast %shift_right_arithmetic3A_638 : i32 to vector<16xi32>
        %shift_right_arithmetic3A_640 = arith.shrsi %bitcast3A_637, %shift_right_arithmetic3A_639 : vector<16xi32>
        %sub3A_641 = arith.constant 127 : i32
        %sub3A_642 = vector.broadcast %sub3A_641 : i32 to vector<16xi32>
        %sub3A_643 = arith.subi %shift_right_arithmetic3A_640, %sub3A_642 : vector<16xi32>
        %and3A_644 = arith.constant 8388607 : i32
        %and3A_645 = vector.broadcast %and3A_644 : i32 to vector<16xi32>
        %and3A_646 = arith.andi %bitcast3A_637, %and3A_645 : vector<16xi32>
        %or3A_647 = arith.constant 1065353216 : i32
        %or3A_648 = vector.broadcast %or3A_647 : i32 to vector<16xi32>
        %or3A_649 = arith.ori %and3A_646, %or3A_648 : vector<16xi32>
        %bitcast3A_650 = vector.bitcast %or3A_649 : vector<16xi32> to vector<16xf32>
        %mul3A_651 = arith.mulf %bitcast3A_650, %bitcast3A_650 : vector<16xf32>
        %mul3A_652 = arith.mulf %mul3A_651, %mul3A_651 : vector<16xf32>
        %mul3A_653 = arith.constant 9.12458133 : f32
        %mul3A_654 = vector.broadcast %mul3A_653 : f32 to vector<16xf32>
        %mul3A_655 = arith.mulf %mul3A_654, %bitcast3A_650 : vector<16xf32>
        %add3A_656 = arith.constant -3.57701635 : f32
        %add3A_657 = vector.broadcast %add3A_656 : f32 to vector<16xf32>
        %add3A_658 = arith.addf %add3A_657, %mul3A_655 : vector<16xf32>
        %mul3A_659 = arith.constant 13.7537308 : f32
        %mul3A_660 = vector.broadcast %mul3A_659 : f32 to vector<16xf32>
        %mul3A_661 = arith.mulf %mul3A_660, %bitcast3A_650 : vector<16xf32>
        %add3A_662 = arith.constant -12.7428932 : f32
        %add3A_663 = vector.broadcast %add3A_662 : f32 to vector<16xf32>
        %add3A_664 = arith.addf %add3A_663, %mul3A_661 : vector<16xf32>
        %mul3A_665 = arith.mulf %add3A_664, %mul3A_651 : vector<16xf32>
        %add3A_666 = arith.addf %add3A_658, %mul3A_665 : vector<16xf32>
        %mul3A_667 = arith.constant 5.84793949 : f32
        %mul3A_668 = vector.broadcast %mul3A_667 : f32 to vector<16xf32>
        %mul3A_669 = arith.mulf %mul3A_668, %bitcast3A_650 : vector<16xf32>
        %add3A_670 = arith.constant -10.6684284 : f32
        %add3A_671 = vector.broadcast %add3A_670 : f32 to vector<16xf32>
        %add3A_672 = arith.addf %add3A_671, %mul3A_669 : vector<16xf32>
        %mul3A_673 = arith.constant 0.550061226 : f32
        %mul3A_674 = vector.broadcast %mul3A_673 : f32 to vector<16xf32>
        %mul3A_675 = arith.mulf %mul3A_674, %bitcast3A_650 : vector<16xf32>
        %add3A_676 = arith.constant -2.21236944 : f32
        %add3A_677 = vector.broadcast %add3A_676 : f32 to vector<16xf32>
        %add3A_678 = arith.addf %add3A_677, %mul3A_675 : vector<16xf32>
        %mul3A_679 = arith.mulf %add3A_678, %mul3A_651 : vector<16xf32>
        %add3A_680 = arith.addf %add3A_672, %mul3A_679 : vector<16xf32>
        %mul3A_681 = arith.constant 0.0053472179 : f32
        %mul3A_682 = vector.broadcast %mul3A_681 : f32 to vector<16xf32>
        %mul3A_683 = arith.mulf %mul3A_682, %bitcast3A_650 : vector<16xf32>
        %add3A_684 = arith.constant -0.0809515193 : f32
        %add3A_685 = vector.broadcast %add3A_684 : f32 to vector<16xf32>
        %add3A_686 = arith.addf %add3A_685, %mul3A_683 : vector<16xf32>
        %mul3A_687 = arith.mulf %add3A_686, %mul3A_652 : vector<16xf32>
        %add3A_688 = arith.addf %add3A_680, %mul3A_687 : vector<16xf32>
        %mul3A_689 = arith.mulf %add3A_688, %mul3A_652 : vector<16xf32>
        %add3A_690 = arith.addf %add3A_666, %mul3A_689 : vector<16xf32>
        %convert_element_type3A_691 = arith.sitofp %sub3A_643 : vector<16xi32> to vector<16xf32>
        %add3A_692 = arith.addf %convert_element_type3A_691, %add3A_690 : vector<16xf32>
        %mul3A_693 = arith.constant 0.693147182 : f32
        %mul3A_694 = vector.broadcast %mul3A_693 : f32 to vector<16xf32>
        %mul3A_695 = arith.mulf %add3A_692, %mul3A_694 : vector<16xf32>
        %bitcast3A_696 = vector.bitcast %max3A_282 : vector<16xf32> to vector<16xi32>
        %shift_right_arithmetic3A_697 = arith.constant 23 : i32
        %shift_right_arithmetic3A_698 = vector.broadcast %shift_right_arithmetic3A_697 : i32 to vector<16xi32>
        %shift_right_arithmetic3A_699 = arith.shrsi %bitcast3A_696, %shift_right_arithmetic3A_698 : vector<16xi32>
        %sub3A_700 = arith.constant 127 : i32
        %sub3A_701 = vector.broadcast %sub3A_700 : i32 to vector<16xi32>
        %sub3A_702 = arith.subi %shift_right_arithmetic3A_699, %sub3A_701 : vector<16xi32>
        %and3A_703 = arith.constant 8388607 : i32
        %and3A_704 = vector.broadcast %and3A_703 : i32 to vector<16xi32>
        %and3A_705 = arith.andi %bitcast3A_696, %and3A_704 : vector<16xi32>
        %or3A_706 = arith.constant 1065353216 : i32
        %or3A_707 = vector.broadcast %or3A_706 : i32 to vector<16xi32>
        %or3A_708 = arith.ori %and3A_705, %or3A_707 : vector<16xi32>
        %bitcast3A_709 = vector.bitcast %or3A_708 : vector<16xi32> to vector<16xf32>
        %mul3A_710 = arith.mulf %bitcast3A_709, %bitcast3A_709 : vector<16xf32>
        %mul3A_711 = arith.mulf %mul3A_710, %mul3A_710 : vector<16xf32>
        %mul3A_712 = arith.constant 9.12458133 : f32
        %mul3A_713 = vector.broadcast %mul3A_712 : f32 to vector<16xf32>
        %mul3A_714 = arith.mulf %mul3A_713, %bitcast3A_709 : vector<16xf32>
        %add3A_715 = arith.constant -3.57701635 : f32
        %add3A_716 = vector.broadcast %add3A_715 : f32 to vector<16xf32>
        %add3A_717 = arith.addf %add3A_716, %mul3A_714 : vector<16xf32>
        %mul3A_718 = arith.constant 13.7537308 : f32
        %mul3A_719 = vector.broadcast %mul3A_718 : f32 to vector<16xf32>
        %mul3A_720 = arith.mulf %mul3A_719, %bitcast3A_709 : vector<16xf32>
        %add3A_721 = arith.constant -12.7428932 : f32
        %add3A_722 = vector.broadcast %add3A_721 : f32 to vector<16xf32>
        %add3A_723 = arith.addf %add3A_722, %mul3A_720 : vector<16xf32>
        %mul3A_724 = arith.mulf %add3A_723, %mul3A_710 : vector<16xf32>
        %add3A_725 = arith.addf %add3A_717, %mul3A_724 : vector<16xf32>
        %mul3A_726 = arith.constant 5.84793949 : f32
        %mul3A_727 = vector.broadcast %mul3A_726 : f32 to vector<16xf32>
        %mul3A_728 = arith.mulf %mul3A_727, %bitcast3A_709 : vector<16xf32>
        %add3A_729 = arith.constant -10.6684284 : f32
        %add3A_730 = vector.broadcast %add3A_729 : f32 to vector<16xf32>
        %add3A_731 = arith.addf %add3A_730, %mul3A_728 : vector<16xf32>
        %mul3A_732 = arith.constant 0.550061226 : f32
        %mul3A_733 = vector.broadcast %mul3A_732 : f32 to vector<16xf32>
        %mul3A_734 = arith.mulf %mul3A_733, %bitcast3A_709 : vector<16xf32>
        %add3A_735 = arith.constant -2.21236944 : f32
        %add3A_736 = vector.broadcast %add3A_735 : f32 to vector<16xf32>
        %add3A_737 = arith.addf %add3A_736, %mul3A_734 : vector<16xf32>
        %mul3A_738 = arith.mulf %add3A_737, %mul3A_710 : vector<16xf32>
        %add3A_739 = arith.addf %add3A_731, %mul3A_738 : vector<16xf32>
        %mul3A_740 = arith.constant 0.0053472179 : f32
        %mul3A_741 = vector.broadcast %mul3A_740 : f32 to vector<16xf32>
        %mul3A_742 = arith.mulf %mul3A_741, %bitcast3A_709 : vector<16xf32>
        %add3A_743 = arith.constant -0.0809515193 : f32
        %add3A_744 = vector.broadcast %add3A_743 : f32 to vector<16xf32>
        %add3A_745 = arith.addf %add3A_744, %mul3A_742 : vector<16xf32>
        %mul3A_746 = arith.mulf %add3A_745, %mul3A_711 : vector<16xf32>
        %add3A_747 = arith.addf %add3A_739, %mul3A_746 : vector<16xf32>
        %mul3A_748 = arith.mulf %add3A_747, %mul3A_711 : vector<16xf32>
        %add3A_749 = arith.addf %add3A_725, %mul3A_748 : vector<16xf32>
        %convert_element_type3A_750 = arith.sitofp %sub3A_702 : vector<16xi32> to vector<16xf32>
        %add3A_751 = arith.addf %convert_element_type3A_750, %add3A_749 : vector<16xf32>
        %mul3A_752 = arith.constant 0.693147182 : f32
        %mul3A_753 = vector.broadcast %mul3A_752 : f32 to vector<16xf32>
        %mul3A_754 = arith.mulf %add3A_751, %mul3A_753 : vector<16xf32>
        %mul3A_755 = arith.constant 1.500000e+01 : f32
        %mul3A_756 = vector.broadcast %mul3A_755 : f32 to vector<16xf32>
        %mul3A_757 = arith.mulf %mul3A_212, %mul3A_756 : vector<16xf32>
        %convert_element_type3A_758 = arith.fptosi %mul3A_757 : vector<16xf32> to vector<16xi32>
        %min3A = arith.constant 15 : i32
        %min3A_759 = vector.broadcast %min3A : i32 to vector<16xi32>
        %min3A_760 = arith.minsi %convert_element_type3A_758, %min3A_759 : vector<16xi32>
        %convert_element_type3A_761 = arith.sitofp %min3A_760 : vector<16xi32> to vector<16xf32>
        %mul3A_762 = arith.constant 0.0666666701 : f32
        %mul3A_763 = vector.broadcast %mul3A_762 : f32 to vector<16xf32>
        %mul3A_764 = arith.mulf %convert_element_type3A_761, %mul3A_763 : vector<16xf32>
        %add3A_765 = arith.constant 1.000000e+00 : f32
        %add3A_766 = vector.broadcast %add3A_765 : f32 to vector<16xf32>
        %add3A_767 = arith.addf %convert_element_type3A_761, %add3A_766 : vector<16xf32>
        %mul3A_768 = arith.constant 0.0666666701 : f32
        %mul3A_769 = vector.broadcast %mul3A_768 : f32 to vector<16xf32>
        %mul3A_770 = arith.mulf %add3A_767, %mul3A_769 : vector<16xf32>
        %le3A = arith.cmpf ole, %mul3A_212, %mul3A_764 : vector<16xf32>
        %convert_element_type3A_771 = arith.extui %le3A : vector<16xi1> to vector<16xi32>
        %sub3A_772 = arith.subi %min3A_760, %convert_element_type3A_771 : vector<16xi32>
        %gt3A = arith.cmpf ogt, %mul3A_212, %mul3A_770 : vector<16xf32>
        %convert_element_type3A_773 = arith.extui %gt3A : vector<16xi1> to vector<16xi32>
        %add3A_774 = arith.addi %sub3A_772, %convert_element_type3A_773 : vector<16xi32>
        %jit3A = arith.constant 0 : i32
        %jit3A_775 = arith.constant 14 : i32
        %max3A_776 = vector.broadcast %jit3A : i32 to vector<16xi32>
        %max3A_777 = arith.maxsi %max3A_776, %add3A_774 : vector<16xi32>
        %min3A_778 = vector.broadcast %jit3A_775 : i32 to vector<16xi32>
        %min3A_779 = arith.minsi %min3A_778, %max3A_777 : vector<16xi32>
        %gt3A_780 = arith.constant 0.000000e+00 : f32
        %gt3A_781 = vector.broadcast %gt3A_780 : f32 to vector<16xf32>
        %gt3A_782 = arith.cmpf ogt, %mul3A_212, %gt3A_781 : vector<16xf32>
        %add3A_783 = arith.constant 0 : i32
        %add3A_784 = arith.addi %mul3A_167, %add3A_783 : i32
        %add3A_785 = vector.broadcast %add3A_784 : i32 to vector<16xi32>
        %add3A_786 = arith.addi %min3A_779, %add3A_785 : vector<16xi32>
        %add3A_787 = arith.addi %mul3A_35, %add3A_786 : vector<16xi32>
        tpu.vector_store_idx %arg7[%add3A_787], %broadcast_in_dim3A_32 masked %gt3A_782 {add = true} : memref<122896xf32, #tpu.memory_space<vmem>>[vector<16xi32>], vector<16xf32>, vector<16xi1>
        %add3A_788 = arith.constant 1920 : i32
        %add3A_789 = vector.broadcast %add3A_788 : i32 to vector<16xi32>
        %add3A_790 = arith.addi %add3A_787, %add3A_789 : vector<16xi32>
        tpu.vector_store_idx %arg7[%add3A_790], %mul3A_341 masked %gt3A_782 {add = true} : memref<122896xf32, #tpu.memory_space<vmem>>[vector<16xi32>], vector<16xf32>, vector<16xi1>
        %add3A_791 = arith.constant 3840 : i32
        %add3A_792 = vector.broadcast %add3A_791 : i32 to vector<16xi32>
        %add3A_793 = arith.addi %add3A_787, %add3A_792 : vector<16xi32>
        tpu.vector_store_idx %arg7[%add3A_793], %sub3A_227 masked %gt3A_782 {add = true} : memref<122896xf32, #tpu.memory_space<vmem>>[vector<16xi32>], vector<16xf32>, vector<16xi1>
        %eq3A = arith.constant 0 : i32
        %eq3A_794 = vector.broadcast %eq3A : i32 to vector<16xi32>
        %eq3A_795 = arith.cmpi eq, %sub3A_171, %eq3A_794 : vector<16xi32>
        %and3A_796 = arith.andi %gt3A_782, %eq3A_795 : vector<16xi1>
        %add3A_797 = arith.constant 5760 : i32
        %add3A_798 = vector.broadcast %add3A_797 : i32 to vector<16xi32>
        %add3A_799 = arith.addi %add3A_787, %add3A_798 : vector<16xi32>
        tpu.vector_store_idx %arg7[%add3A_799], %broadcast_in_dim3A_32 masked %and3A_796 {add = true} : memref<122896xf32, #tpu.memory_space<vmem>>[vector<16xi32>], vector<16xf32>, vector<16xi1>
        %mul3A_800 = arith.constant 1.500000e+01 : f32
        %mul3A_801 = vector.broadcast %mul3A_800 : f32 to vector<16xf32>
        %mul3A_802 = arith.mulf %mul3A_214, %mul3A_801 : vector<16xf32>
        %convert_element_type3A_803 = arith.fptosi %mul3A_802 : vector<16xf32> to vector<16xi32>
        %min3A_804 = arith.constant 15 : i32
        %min3A_805 = vector.broadcast %min3A_804 : i32 to vector<16xi32>
        %min3A_806 = arith.minsi %convert_element_type3A_803, %min3A_805 : vector<16xi32>
        %convert_element_type3A_807 = arith.sitofp %min3A_806 : vector<16xi32> to vector<16xf32>
        %mul3A_808 = arith.constant 0.0666666701 : f32
        %mul3A_809 = vector.broadcast %mul3A_808 : f32 to vector<16xf32>
        %mul3A_810 = arith.mulf %convert_element_type3A_807, %mul3A_809 : vector<16xf32>
        %add3A_811 = arith.constant 1.000000e+00 : f32
        %add3A_812 = vector.broadcast %add3A_811 : f32 to vector<16xf32>
        %add3A_813 = arith.addf %convert_element_type3A_807, %add3A_812 : vector<16xf32>
        %mul3A_814 = arith.constant 0.0666666701 : f32
        %mul3A_815 = vector.broadcast %mul3A_814 : f32 to vector<16xf32>
        %mul3A_816 = arith.mulf %add3A_813, %mul3A_815 : vector<16xf32>
        %le3A_817 = arith.cmpf ole, %mul3A_214, %mul3A_810 : vector<16xf32>
        %convert_element_type3A_818 = arith.extui %le3A_817 : vector<16xi1> to vector<16xi32>
        %sub3A_819 = arith.subi %min3A_806, %convert_element_type3A_818 : vector<16xi32>
        %gt3A_820 = arith.cmpf ogt, %mul3A_214, %mul3A_816 : vector<16xf32>
        %convert_element_type3A_821 = arith.extui %gt3A_820 : vector<16xi1> to vector<16xi32>
        %add3A_822 = arith.addi %sub3A_819, %convert_element_type3A_821 : vector<16xi32>
        %jit3A_823 = arith.constant 0 : i32
        %jit3A_824 = arith.constant 14 : i32
        %max3A_825 = vector.broadcast %jit3A_823 : i32 to vector<16xi32>
        %max3A_826 = arith.maxsi %max3A_825, %add3A_822 : vector<16xi32>
        %min3A_827 = vector.broadcast %jit3A_824 : i32 to vector<16xi32>
        %min3A_828 = arith.minsi %min3A_827, %max3A_826 : vector<16xi32>
        %gt3A_829 = arith.constant 0.000000e+00 : f32
        %gt3A_830 = vector.broadcast %gt3A_829 : f32 to vector<16xf32>
        %gt3A_831 = arith.cmpf ogt, %mul3A_214, %gt3A_830 : vector<16xf32>
        %add3A_832 = arith.constant 15 : i32
        %add3A_833 = arith.addi %mul3A_167, %add3A_832 : i32
        %add3A_834 = vector.broadcast %add3A_833 : i32 to vector<16xi32>
        %add3A_835 = arith.addi %min3A_828, %add3A_834 : vector<16xi32>
        %add3A_836 = arith.addi %mul3A_35, %add3A_835 : vector<16xi32>
        tpu.vector_store_idx %arg7[%add3A_836], %broadcast_in_dim3A_32 masked %gt3A_831 {add = true} : memref<122896xf32, #tpu.memory_space<vmem>>[vector<16xi32>], vector<16xf32>, vector<16xi1>
        %add3A_837 = arith.constant 1920 : i32
        %add3A_838 = vector.broadcast %add3A_837 : i32 to vector<16xi32>
        %add3A_839 = arith.addi %add3A_836, %add3A_838 : vector<16xi32>
        tpu.vector_store_idx %arg7[%add3A_839], %mul3A_400 masked %gt3A_831 {add = true} : memref<122896xf32, #tpu.memory_space<vmem>>[vector<16xi32>], vector<16xf32>, vector<16xi1>
        %add3A_840 = arith.constant 3840 : i32
        %add3A_841 = vector.broadcast %add3A_840 : i32 to vector<16xi32>
        %add3A_842 = arith.addi %add3A_836, %add3A_841 : vector<16xi32>
        tpu.vector_store_idx %arg7[%add3A_842], %sub3A_228 masked %gt3A_831 {add = true} : memref<122896xf32, #tpu.memory_space<vmem>>[vector<16xi32>], vector<16xf32>, vector<16xi1>
        %eq3A_843 = arith.constant 1 : i32
        %eq3A_844 = vector.broadcast %eq3A_843 : i32 to vector<16xi32>
        %eq3A_845 = arith.cmpi eq, %sub3A_171, %eq3A_844 : vector<16xi32>
        %and3A_846 = arith.andi %gt3A_831, %eq3A_845 : vector<16xi1>
        %add3A_847 = arith.constant 5760 : i32
        %add3A_848 = vector.broadcast %add3A_847 : i32 to vector<16xi32>
        %add3A_849 = arith.addi %add3A_836, %add3A_848 : vector<16xi32>
        tpu.vector_store_idx %arg7[%add3A_849], %broadcast_in_dim3A_32 masked %and3A_846 {add = true} : memref<122896xf32, #tpu.memory_space<vmem>>[vector<16xi32>], vector<16xf32>, vector<16xi1>
        %mul3A_850 = arith.constant 1.500000e+01 : f32
        %mul3A_851 = vector.broadcast %mul3A_850 : f32 to vector<16xf32>
        %mul3A_852 = arith.mulf %mul3A_216, %mul3A_851 : vector<16xf32>
        %convert_element_type3A_853 = arith.fptosi %mul3A_852 : vector<16xf32> to vector<16xi32>
        %min3A_854 = arith.constant 15 : i32
        %min3A_855 = vector.broadcast %min3A_854 : i32 to vector<16xi32>
        %min3A_856 = arith.minsi %convert_element_type3A_853, %min3A_855 : vector<16xi32>
        %convert_element_type3A_857 = arith.sitofp %min3A_856 : vector<16xi32> to vector<16xf32>
        %mul3A_858 = arith.constant 0.0666666701 : f32
        %mul3A_859 = vector.broadcast %mul3A_858 : f32 to vector<16xf32>
        %mul3A_860 = arith.mulf %convert_element_type3A_857, %mul3A_859 : vector<16xf32>
        %add3A_861 = arith.constant 1.000000e+00 : f32
        %add3A_862 = vector.broadcast %add3A_861 : f32 to vector<16xf32>
        %add3A_863 = arith.addf %convert_element_type3A_857, %add3A_862 : vector<16xf32>
        %mul3A_864 = arith.constant 0.0666666701 : f32
        %mul3A_865 = vector.broadcast %mul3A_864 : f32 to vector<16xf32>
        %mul3A_866 = arith.mulf %add3A_863, %mul3A_865 : vector<16xf32>
        %le3A_867 = arith.cmpf ole, %mul3A_216, %mul3A_860 : vector<16xf32>
        %convert_element_type3A_868 = arith.extui %le3A_867 : vector<16xi1> to vector<16xi32>
        %sub3A_869 = arith.subi %min3A_856, %convert_element_type3A_868 : vector<16xi32>
        %gt3A_870 = arith.cmpf ogt, %mul3A_216, %mul3A_866 : vector<16xf32>
        %convert_element_type3A_871 = arith.extui %gt3A_870 : vector<16xi1> to vector<16xi32>
        %add3A_872 = arith.addi %sub3A_869, %convert_element_type3A_871 : vector<16xi32>
        %jit3A_873 = arith.constant 0 : i32
        %jit3A_874 = arith.constant 14 : i32
        %max3A_875 = vector.broadcast %jit3A_873 : i32 to vector<16xi32>
        %max3A_876 = arith.maxsi %max3A_875, %add3A_872 : vector<16xi32>
        %min3A_877 = vector.broadcast %jit3A_874 : i32 to vector<16xi32>
        %min3A_878 = arith.minsi %min3A_877, %max3A_876 : vector<16xi32>
        %gt3A_879 = arith.constant 0.000000e+00 : f32
        %gt3A_880 = vector.broadcast %gt3A_879 : f32 to vector<16xf32>
        %gt3A_881 = arith.cmpf ogt, %mul3A_216, %gt3A_880 : vector<16xf32>
        %add3A_882 = arith.constant 30 : i32
        %add3A_883 = arith.addi %mul3A_167, %add3A_882 : i32
        %add3A_884 = vector.broadcast %add3A_883 : i32 to vector<16xi32>
        %add3A_885 = arith.addi %min3A_878, %add3A_884 : vector<16xi32>
        %add3A_886 = arith.addi %mul3A_35, %add3A_885 : vector<16xi32>
        tpu.vector_store_idx %arg7[%add3A_886], %broadcast_in_dim3A_32 masked %gt3A_881 {add = true} : memref<122896xf32, #tpu.memory_space<vmem>>[vector<16xi32>], vector<16xf32>, vector<16xi1>
        %add3A_887 = arith.constant 1920 : i32
        %add3A_888 = vector.broadcast %add3A_887 : i32 to vector<16xi32>
        %add3A_889 = arith.addi %add3A_886, %add3A_888 : vector<16xi32>
        tpu.vector_store_idx %arg7[%add3A_889], %mul3A_459 masked %gt3A_881 {add = true} : memref<122896xf32, #tpu.memory_space<vmem>>[vector<16xi32>], vector<16xf32>, vector<16xi1>
        %add3A_890 = arith.constant 3840 : i32
        %add3A_891 = vector.broadcast %add3A_890 : i32 to vector<16xi32>
        %add3A_892 = arith.addi %add3A_886, %add3A_891 : vector<16xi32>
        tpu.vector_store_idx %arg7[%add3A_892], %sub3A_229 masked %gt3A_881 {add = true} : memref<122896xf32, #tpu.memory_space<vmem>>[vector<16xi32>], vector<16xf32>, vector<16xi1>
        %eq3A_893 = arith.constant 2 : i32
        %eq3A_894 = vector.broadcast %eq3A_893 : i32 to vector<16xi32>
        %eq3A_895 = arith.cmpi eq, %sub3A_171, %eq3A_894 : vector<16xi32>
        %and3A_896 = arith.andi %gt3A_881, %eq3A_895 : vector<16xi1>
        %add3A_897 = arith.constant 5760 : i32
        %add3A_898 = vector.broadcast %add3A_897 : i32 to vector<16xi32>
        %add3A_899 = arith.addi %add3A_886, %add3A_898 : vector<16xi32>
        tpu.vector_store_idx %arg7[%add3A_899], %broadcast_in_dim3A_32 masked %and3A_896 {add = true} : memref<122896xf32, #tpu.memory_space<vmem>>[vector<16xi32>], vector<16xf32>, vector<16xi1>
        %mul3A_900 = arith.constant 1.500000e+01 : f32
        %mul3A_901 = vector.broadcast %mul3A_900 : f32 to vector<16xf32>
        %mul3A_902 = arith.mulf %mul3A_218, %mul3A_901 : vector<16xf32>
        %convert_element_type3A_903 = arith.fptosi %mul3A_902 : vector<16xf32> to vector<16xi32>
        %min3A_904 = arith.constant 15 : i32
        %min3A_905 = vector.broadcast %min3A_904 : i32 to vector<16xi32>
        %min3A_906 = arith.minsi %convert_element_type3A_903, %min3A_905 : vector<16xi32>
        %convert_element_type3A_907 = arith.sitofp %min3A_906 : vector<16xi32> to vector<16xf32>
        %mul3A_908 = arith.constant 0.0666666701 : f32
        %mul3A_909 = vector.broadcast %mul3A_908 : f32 to vector<16xf32>
        %mul3A_910 = arith.mulf %convert_element_type3A_907, %mul3A_909 : vector<16xf32>
        %add3A_911 = arith.constant 1.000000e+00 : f32
        %add3A_912 = vector.broadcast %add3A_911 : f32 to vector<16xf32>
        %add3A_913 = arith.addf %convert_element_type3A_907, %add3A_912 : vector<16xf32>
        %mul3A_914 = arith.constant 0.0666666701 : f32
        %mul3A_915 = vector.broadcast %mul3A_914 : f32 to vector<16xf32>
        %mul3A_916 = arith.mulf %add3A_913, %mul3A_915 : vector<16xf32>
        %le3A_917 = arith.cmpf ole, %mul3A_218, %mul3A_910 : vector<16xf32>
        %convert_element_type3A_918 = arith.extui %le3A_917 : vector<16xi1> to vector<16xi32>
        %sub3A_919 = arith.subi %min3A_906, %convert_element_type3A_918 : vector<16xi32>
        %gt3A_920 = arith.cmpf ogt, %mul3A_218, %mul3A_916 : vector<16xf32>
        %convert_element_type3A_921 = arith.extui %gt3A_920 : vector<16xi1> to vector<16xi32>
        %add3A_922 = arith.addi %sub3A_919, %convert_element_type3A_921 : vector<16xi32>
        %jit3A_923 = arith.constant 0 : i32
        %jit3A_924 = arith.constant 14 : i32
        %max3A_925 = vector.broadcast %jit3A_923 : i32 to vector<16xi32>
        %max3A_926 = arith.maxsi %max3A_925, %add3A_922 : vector<16xi32>
        %min3A_927 = vector.broadcast %jit3A_924 : i32 to vector<16xi32>
        %min3A_928 = arith.minsi %min3A_927, %max3A_926 : vector<16xi32>
        %gt3A_929 = arith.constant 0.000000e+00 : f32
        %gt3A_930 = vector.broadcast %gt3A_929 : f32 to vector<16xf32>
        %gt3A_931 = arith.cmpf ogt, %mul3A_218, %gt3A_930 : vector<16xf32>
        %add3A_932 = arith.constant 45 : i32
        %add3A_933 = arith.addi %mul3A_167, %add3A_932 : i32
        %add3A_934 = vector.broadcast %add3A_933 : i32 to vector<16xi32>
        %add3A_935 = arith.addi %min3A_928, %add3A_934 : vector<16xi32>
        %add3A_936 = arith.addi %mul3A_35, %add3A_935 : vector<16xi32>
        tpu.vector_store_idx %arg7[%add3A_936], %broadcast_in_dim3A_32 masked %gt3A_931 {add = true} : memref<122896xf32, #tpu.memory_space<vmem>>[vector<16xi32>], vector<16xf32>, vector<16xi1>
        %add3A_937 = arith.constant 1920 : i32
        %add3A_938 = vector.broadcast %add3A_937 : i32 to vector<16xi32>
        %add3A_939 = arith.addi %add3A_936, %add3A_938 : vector<16xi32>
        tpu.vector_store_idx %arg7[%add3A_939], %mul3A_518 masked %gt3A_931 {add = true} : memref<122896xf32, #tpu.memory_space<vmem>>[vector<16xi32>], vector<16xf32>, vector<16xi1>
        %add3A_940 = arith.constant 3840 : i32
        %add3A_941 = vector.broadcast %add3A_940 : i32 to vector<16xi32>
        %add3A_942 = arith.addi %add3A_936, %add3A_941 : vector<16xi32>
        tpu.vector_store_idx %arg7[%add3A_942], %sub3A_230 masked %gt3A_931 {add = true} : memref<122896xf32, #tpu.memory_space<vmem>>[vector<16xi32>], vector<16xf32>, vector<16xi1>
        %eq3A_943 = arith.constant 3 : i32
        %eq3A_944 = vector.broadcast %eq3A_943 : i32 to vector<16xi32>
        %eq3A_945 = arith.cmpi eq, %sub3A_171, %eq3A_944 : vector<16xi32>
        %and3A_946 = arith.andi %gt3A_931, %eq3A_945 : vector<16xi1>
        %add3A_947 = arith.constant 5760 : i32
        %add3A_948 = vector.broadcast %add3A_947 : i32 to vector<16xi32>
        %add3A_949 = arith.addi %add3A_936, %add3A_948 : vector<16xi32>
        tpu.vector_store_idx %arg7[%add3A_949], %broadcast_in_dim3A_32 masked %and3A_946 {add = true} : memref<122896xf32, #tpu.memory_space<vmem>>[vector<16xi32>], vector<16xf32>, vector<16xi1>
        %mul3A_950 = arith.constant 1.500000e+01 : f32
        %mul3A_951 = vector.broadcast %mul3A_950 : f32 to vector<16xf32>
        %mul3A_952 = arith.mulf %mul3A_220, %mul3A_951 : vector<16xf32>
        %convert_element_type3A_953 = arith.fptosi %mul3A_952 : vector<16xf32> to vector<16xi32>
        %min3A_954 = arith.constant 15 : i32
        %min3A_955 = vector.broadcast %min3A_954 : i32 to vector<16xi32>
        %min3A_956 = arith.minsi %convert_element_type3A_953, %min3A_955 : vector<16xi32>
        %convert_element_type3A_957 = arith.sitofp %min3A_956 : vector<16xi32> to vector<16xf32>
        %mul3A_958 = arith.constant 0.0666666701 : f32
        %mul3A_959 = vector.broadcast %mul3A_958 : f32 to vector<16xf32>
        %mul3A_960 = arith.mulf %convert_element_type3A_957, %mul3A_959 : vector<16xf32>
        %add3A_961 = arith.constant 1.000000e+00 : f32
        %add3A_962 = vector.broadcast %add3A_961 : f32 to vector<16xf32>
        %add3A_963 = arith.addf %convert_element_type3A_957, %add3A_962 : vector<16xf32>
        %mul3A_964 = arith.constant 0.0666666701 : f32
        %mul3A_965 = vector.broadcast %mul3A_964 : f32 to vector<16xf32>
        %mul3A_966 = arith.mulf %add3A_963, %mul3A_965 : vector<16xf32>
        %le3A_967 = arith.cmpf ole, %mul3A_220, %mul3A_960 : vector<16xf32>
        %convert_element_type3A_968 = arith.extui %le3A_967 : vector<16xi1> to vector<16xi32>
        %sub3A_969 = arith.subi %min3A_956, %convert_element_type3A_968 : vector<16xi32>
        %gt3A_970 = arith.cmpf ogt, %mul3A_220, %mul3A_966 : vector<16xf32>
        %convert_element_type3A_971 = arith.extui %gt3A_970 : vector<16xi1> to vector<16xi32>
        %add3A_972 = arith.addi %sub3A_969, %convert_element_type3A_971 : vector<16xi32>
        %jit3A_973 = arith.constant 0 : i32
        %jit3A_974 = arith.constant 14 : i32
        %max3A_975 = vector.broadcast %jit3A_973 : i32 to vector<16xi32>
        %max3A_976 = arith.maxsi %max3A_975, %add3A_972 : vector<16xi32>
        %min3A_977 = vector.broadcast %jit3A_974 : i32 to vector<16xi32>
        %min3A_978 = arith.minsi %min3A_977, %max3A_976 : vector<16xi32>
        %gt3A_979 = arith.constant 0.000000e+00 : f32
        %gt3A_980 = vector.broadcast %gt3A_979 : f32 to vector<16xf32>
        %gt3A_981 = arith.cmpf ogt, %mul3A_220, %gt3A_980 : vector<16xf32>
        %add3A_982 = arith.constant 60 : i32
        %add3A_983 = arith.addi %mul3A_167, %add3A_982 : i32
        %add3A_984 = vector.broadcast %add3A_983 : i32 to vector<16xi32>
        %add3A_985 = arith.addi %min3A_978, %add3A_984 : vector<16xi32>
        %add3A_986 = arith.addi %mul3A_35, %add3A_985 : vector<16xi32>
        tpu.vector_store_idx %arg7[%add3A_986], %broadcast_in_dim3A_32 masked %gt3A_981 {add = true} : memref<122896xf32, #tpu.memory_space<vmem>>[vector<16xi32>], vector<16xf32>, vector<16xi1>
        %add3A_987 = arith.constant 1920 : i32
        %add3A_988 = vector.broadcast %add3A_987 : i32 to vector<16xi32>
        %add3A_989 = arith.addi %add3A_986, %add3A_988 : vector<16xi32>
        tpu.vector_store_idx %arg7[%add3A_989], %mul3A_577 masked %gt3A_981 {add = true} : memref<122896xf32, #tpu.memory_space<vmem>>[vector<16xi32>], vector<16xf32>, vector<16xi1>
        %add3A_990 = arith.constant 3840 : i32
        %add3A_991 = vector.broadcast %add3A_990 : i32 to vector<16xi32>
        %add3A_992 = arith.addi %add3A_986, %add3A_991 : vector<16xi32>
        tpu.vector_store_idx %arg7[%add3A_992], %sub3A_231 masked %gt3A_981 {add = true} : memref<122896xf32, #tpu.memory_space<vmem>>[vector<16xi32>], vector<16xf32>, vector<16xi1>
        %eq3A_993 = arith.constant 4 : i32
        %eq3A_994 = vector.broadcast %eq3A_993 : i32 to vector<16xi32>
        %eq3A_995 = arith.cmpi eq, %sub3A_171, %eq3A_994 : vector<16xi32>
        %and3A_996 = arith.andi %gt3A_981, %eq3A_995 : vector<16xi1>
        %add3A_997 = arith.constant 5760 : i32
        %add3A_998 = vector.broadcast %add3A_997 : i32 to vector<16xi32>
        %add3A_999 = arith.addi %add3A_986, %add3A_998 : vector<16xi32>
        tpu.vector_store_idx %arg7[%add3A_999], %broadcast_in_dim3A_32 masked %and3A_996 {add = true} : memref<122896xf32, #tpu.memory_space<vmem>>[vector<16xi32>], vector<16xf32>, vector<16xi1>
        %mul3A_1000 = arith.constant 1.500000e+01 : f32
        %mul3A_1001 = vector.broadcast %mul3A_1000 : f32 to vector<16xf32>
        %mul3A_1002 = arith.mulf %mul3A_222, %mul3A_1001 : vector<16xf32>
        %convert_element_type3A_1003 = arith.fptosi %mul3A_1002 : vector<16xf32> to vector<16xi32>
        %min3A_1004 = arith.constant 15 : i32
        %min3A_1005 = vector.broadcast %min3A_1004 : i32 to vector<16xi32>
        %min3A_1006 = arith.minsi %convert_element_type3A_1003, %min3A_1005 : vector<16xi32>
        %convert_element_type3A_1007 = arith.sitofp %min3A_1006 : vector<16xi32> to vector<16xf32>
        %mul3A_1008 = arith.constant 0.0666666701 : f32
        %mul3A_1009 = vector.broadcast %mul3A_1008 : f32 to vector<16xf32>
        %mul3A_1010 = arith.mulf %convert_element_type3A_1007, %mul3A_1009 : vector<16xf32>
        %add3A_1011 = arith.constant 1.000000e+00 : f32
        %add3A_1012 = vector.broadcast %add3A_1011 : f32 to vector<16xf32>
        %add3A_1013 = arith.addf %convert_element_type3A_1007, %add3A_1012 : vector<16xf32>
        %mul3A_1014 = arith.constant 0.0666666701 : f32
        %mul3A_1015 = vector.broadcast %mul3A_1014 : f32 to vector<16xf32>
        %mul3A_1016 = arith.mulf %add3A_1013, %mul3A_1015 : vector<16xf32>
        %le3A_1017 = arith.cmpf ole, %mul3A_222, %mul3A_1010 : vector<16xf32>
        %convert_element_type3A_1018 = arith.extui %le3A_1017 : vector<16xi1> to vector<16xi32>
        %sub3A_1019 = arith.subi %min3A_1006, %convert_element_type3A_1018 : vector<16xi32>
        %gt3A_1020 = arith.cmpf ogt, %mul3A_222, %mul3A_1016 : vector<16xf32>
        %convert_element_type3A_1021 = arith.extui %gt3A_1020 : vector<16xi1> to vector<16xi32>
        %add3A_1022 = arith.addi %sub3A_1019, %convert_element_type3A_1021 : vector<16xi32>
        %jit3A_1023 = arith.constant 0 : i32
        %jit3A_1024 = arith.constant 14 : i32
        %max3A_1025 = vector.broadcast %jit3A_1023 : i32 to vector<16xi32>
        %max3A_1026 = arith.maxsi %max3A_1025, %add3A_1022 : vector<16xi32>
        %min3A_1027 = vector.broadcast %jit3A_1024 : i32 to vector<16xi32>
        %min3A_1028 = arith.minsi %min3A_1027, %max3A_1026 : vector<16xi32>
        %gt3A_1029 = arith.constant 0.000000e+00 : f32
        %gt3A_1030 = vector.broadcast %gt3A_1029 : f32 to vector<16xf32>
        %gt3A_1031 = arith.cmpf ogt, %mul3A_222, %gt3A_1030 : vector<16xf32>
        %add3A_1032 = arith.constant 75 : i32
        %add3A_1033 = arith.addi %mul3A_167, %add3A_1032 : i32
        %add3A_1034 = vector.broadcast %add3A_1033 : i32 to vector<16xi32>
        %add3A_1035 = arith.addi %min3A_1028, %add3A_1034 : vector<16xi32>
        %add3A_1036 = arith.addi %mul3A_35, %add3A_1035 : vector<16xi32>
        tpu.vector_store_idx %arg7[%add3A_1036], %broadcast_in_dim3A_32 masked %gt3A_1031 {add = true} : memref<122896xf32, #tpu.memory_space<vmem>>[vector<16xi32>], vector<16xf32>, vector<16xi1>
        %add3A_1037 = arith.constant 1920 : i32
        %add3A_1038 = vector.broadcast %add3A_1037 : i32 to vector<16xi32>
        %add3A_1039 = arith.addi %add3A_1036, %add3A_1038 : vector<16xi32>
        tpu.vector_store_idx %arg7[%add3A_1039], %mul3A_636 masked %gt3A_1031 {add = true} : memref<122896xf32, #tpu.memory_space<vmem>>[vector<16xi32>], vector<16xf32>, vector<16xi1>
        %add3A_1040 = arith.constant 3840 : i32
        %add3A_1041 = vector.broadcast %add3A_1040 : i32 to vector<16xi32>
        %add3A_1042 = arith.addi %add3A_1036, %add3A_1041 : vector<16xi32>
        tpu.vector_store_idx %arg7[%add3A_1042], %sub3A_232 masked %gt3A_1031 {add = true} : memref<122896xf32, #tpu.memory_space<vmem>>[vector<16xi32>], vector<16xf32>, vector<16xi1>
        %eq3A_1043 = arith.constant 5 : i32
        %eq3A_1044 = vector.broadcast %eq3A_1043 : i32 to vector<16xi32>
        %eq3A_1045 = arith.cmpi eq, %sub3A_171, %eq3A_1044 : vector<16xi32>
        %and3A_1046 = arith.andi %gt3A_1031, %eq3A_1045 : vector<16xi1>
        %add3A_1047 = arith.constant 5760 : i32
        %add3A_1048 = vector.broadcast %add3A_1047 : i32 to vector<16xi32>
        %add3A_1049 = arith.addi %add3A_1036, %add3A_1048 : vector<16xi32>
        tpu.vector_store_idx %arg7[%add3A_1049], %broadcast_in_dim3A_32 masked %and3A_1046 {add = true} : memref<122896xf32, #tpu.memory_space<vmem>>[vector<16xi32>], vector<16xf32>, vector<16xi1>
        %mul3A_1050 = arith.constant 1.500000e+01 : f32
        %mul3A_1051 = vector.broadcast %mul3A_1050 : f32 to vector<16xf32>
        %mul3A_1052 = arith.mulf %mul3A_224, %mul3A_1051 : vector<16xf32>
        %convert_element_type3A_1053 = arith.fptosi %mul3A_1052 : vector<16xf32> to vector<16xi32>
        %min3A_1054 = arith.constant 15 : i32
        %min3A_1055 = vector.broadcast %min3A_1054 : i32 to vector<16xi32>
        %min3A_1056 = arith.minsi %convert_element_type3A_1053, %min3A_1055 : vector<16xi32>
        %convert_element_type3A_1057 = arith.sitofp %min3A_1056 : vector<16xi32> to vector<16xf32>
        %mul3A_1058 = arith.constant 0.0666666701 : f32
        %mul3A_1059 = vector.broadcast %mul3A_1058 : f32 to vector<16xf32>
        %mul3A_1060 = arith.mulf %convert_element_type3A_1057, %mul3A_1059 : vector<16xf32>
        %add3A_1061 = arith.constant 1.000000e+00 : f32
        %add3A_1062 = vector.broadcast %add3A_1061 : f32 to vector<16xf32>
        %add3A_1063 = arith.addf %convert_element_type3A_1057, %add3A_1062 : vector<16xf32>
        %mul3A_1064 = arith.constant 0.0666666701 : f32
        %mul3A_1065 = vector.broadcast %mul3A_1064 : f32 to vector<16xf32>
        %mul3A_1066 = arith.mulf %add3A_1063, %mul3A_1065 : vector<16xf32>
        %le3A_1067 = arith.cmpf ole, %mul3A_224, %mul3A_1060 : vector<16xf32>
        %convert_element_type3A_1068 = arith.extui %le3A_1067 : vector<16xi1> to vector<16xi32>
        %sub3A_1069 = arith.subi %min3A_1056, %convert_element_type3A_1068 : vector<16xi32>
        %gt3A_1070 = arith.cmpf ogt, %mul3A_224, %mul3A_1066 : vector<16xf32>
        %convert_element_type3A_1071 = arith.extui %gt3A_1070 : vector<16xi1> to vector<16xi32>
        %add3A_1072 = arith.addi %sub3A_1069, %convert_element_type3A_1071 : vector<16xi32>
        %jit3A_1073 = arith.constant 0 : i32
        %jit3A_1074 = arith.constant 14 : i32
        %max3A_1075 = vector.broadcast %jit3A_1073 : i32 to vector<16xi32>
        %max3A_1076 = arith.maxsi %max3A_1075, %add3A_1072 : vector<16xi32>
        %min3A_1077 = vector.broadcast %jit3A_1074 : i32 to vector<16xi32>
        %min3A_1078 = arith.minsi %min3A_1077, %max3A_1076 : vector<16xi32>
        %gt3A_1079 = arith.constant 0.000000e+00 : f32
        %gt3A_1080 = vector.broadcast %gt3A_1079 : f32 to vector<16xf32>
        %gt3A_1081 = arith.cmpf ogt, %mul3A_224, %gt3A_1080 : vector<16xf32>
        %add3A_1082 = arith.constant 90 : i32
        %add3A_1083 = arith.addi %mul3A_167, %add3A_1082 : i32
        %add3A_1084 = vector.broadcast %add3A_1083 : i32 to vector<16xi32>
        %add3A_1085 = arith.addi %min3A_1078, %add3A_1084 : vector<16xi32>
        %add3A_1086 = arith.addi %mul3A_35, %add3A_1085 : vector<16xi32>
        tpu.vector_store_idx %arg7[%add3A_1086], %broadcast_in_dim3A_32 masked %gt3A_1081 {add = true} : memref<122896xf32, #tpu.memory_space<vmem>>[vector<16xi32>], vector<16xf32>, vector<16xi1>
        %add3A_1087 = arith.constant 1920 : i32
        %add3A_1088 = vector.broadcast %add3A_1087 : i32 to vector<16xi32>
        %add3A_1089 = arith.addi %add3A_1086, %add3A_1088 : vector<16xi32>
        tpu.vector_store_idx %arg7[%add3A_1089], %mul3A_695 masked %gt3A_1081 {add = true} : memref<122896xf32, #tpu.memory_space<vmem>>[vector<16xi32>], vector<16xf32>, vector<16xi1>
        %add3A_1090 = arith.constant 3840 : i32
        %add3A_1091 = vector.broadcast %add3A_1090 : i32 to vector<16xi32>
        %add3A_1092 = arith.addi %add3A_1086, %add3A_1091 : vector<16xi32>
        tpu.vector_store_idx %arg7[%add3A_1092], %sub3A_233 masked %gt3A_1081 {add = true} : memref<122896xf32, #tpu.memory_space<vmem>>[vector<16xi32>], vector<16xf32>, vector<16xi1>
        %eq3A_1093 = arith.constant 6 : i32
        %eq3A_1094 = vector.broadcast %eq3A_1093 : i32 to vector<16xi32>
        %eq3A_1095 = arith.cmpi eq, %sub3A_171, %eq3A_1094 : vector<16xi32>
        %and3A_1096 = arith.andi %gt3A_1081, %eq3A_1095 : vector<16xi1>
        %add3A_1097 = arith.constant 5760 : i32
        %add3A_1098 = vector.broadcast %add3A_1097 : i32 to vector<16xi32>
        %add3A_1099 = arith.addi %add3A_1086, %add3A_1098 : vector<16xi32>
        tpu.vector_store_idx %arg7[%add3A_1099], %broadcast_in_dim3A_32 masked %and3A_1096 {add = true} : memref<122896xf32, #tpu.memory_space<vmem>>[vector<16xi32>], vector<16xf32>, vector<16xi1>
        %mul3A_1100 = arith.constant 1.500000e+01 : f32
        %mul3A_1101 = vector.broadcast %mul3A_1100 : f32 to vector<16xf32>
        %mul3A_1102 = arith.mulf %mul3A_226, %mul3A_1101 : vector<16xf32>
        %convert_element_type3A_1103 = arith.fptosi %mul3A_1102 : vector<16xf32> to vector<16xi32>
        %min3A_1104 = arith.constant 15 : i32
        %min3A_1105 = vector.broadcast %min3A_1104 : i32 to vector<16xi32>
        %min3A_1106 = arith.minsi %convert_element_type3A_1103, %min3A_1105 : vector<16xi32>
        %convert_element_type3A_1107 = arith.sitofp %min3A_1106 : vector<16xi32> to vector<16xf32>
        %mul3A_1108 = arith.constant 0.0666666701 : f32
        %mul3A_1109 = vector.broadcast %mul3A_1108 : f32 to vector<16xf32>
        %mul3A_1110 = arith.mulf %convert_element_type3A_1107, %mul3A_1109 : vector<16xf32>
        %add3A_1111 = arith.constant 1.000000e+00 : f32
        %add3A_1112 = vector.broadcast %add3A_1111 : f32 to vector<16xf32>
        %add3A_1113 = arith.addf %convert_element_type3A_1107, %add3A_1112 : vector<16xf32>
        %mul3A_1114 = arith.constant 0.0666666701 : f32
        %mul3A_1115 = vector.broadcast %mul3A_1114 : f32 to vector<16xf32>
        %mul3A_1116 = arith.mulf %add3A_1113, %mul3A_1115 : vector<16xf32>
        %le3A_1117 = arith.cmpf ole, %mul3A_226, %mul3A_1110 : vector<16xf32>
        %convert_element_type3A_1118 = arith.extui %le3A_1117 : vector<16xi1> to vector<16xi32>
        %sub3A_1119 = arith.subi %min3A_1106, %convert_element_type3A_1118 : vector<16xi32>
        %gt3A_1120 = arith.cmpf ogt, %mul3A_226, %mul3A_1116 : vector<16xf32>
        %convert_element_type3A_1121 = arith.extui %gt3A_1120 : vector<16xi1> to vector<16xi32>
        %add3A_1122 = arith.addi %sub3A_1119, %convert_element_type3A_1121 : vector<16xi32>
        %jit3A_1123 = arith.constant 0 : i32
        %jit3A_1124 = arith.constant 14 : i32
        %max3A_1125 = vector.broadcast %jit3A_1123 : i32 to vector<16xi32>
        %max3A_1126 = arith.maxsi %max3A_1125, %add3A_1122 : vector<16xi32>
        %min3A_1127 = vector.broadcast %jit3A_1124 : i32 to vector<16xi32>
        %min3A_1128 = arith.minsi %min3A_1127, %max3A_1126 : vector<16xi32>
        %gt3A_1129 = arith.constant 0.000000e+00 : f32
        %gt3A_1130 = vector.broadcast %gt3A_1129 : f32 to vector<16xf32>
        %gt3A_1131 = arith.cmpf ogt, %mul3A_226, %gt3A_1130 : vector<16xf32>
        %add3A_1132 = arith.constant 105 : i32
        %add3A_1133 = arith.addi %mul3A_167, %add3A_1132 : i32
        %add3A_1134 = vector.broadcast %add3A_1133 : i32 to vector<16xi32>
        %add3A_1135 = arith.addi %min3A_1128, %add3A_1134 : vector<16xi32>
        %add3A_1136 = arith.addi %mul3A_35, %add3A_1135 : vector<16xi32>
        tpu.vector_store_idx %arg7[%add3A_1136], %broadcast_in_dim3A_32 masked %gt3A_1131 {add = true} : memref<122896xf32, #tpu.memory_space<vmem>>[vector<16xi32>], vector<16xf32>, vector<16xi1>
        %add3A_1137 = arith.constant 1920 : i32
        %add3A_1138 = vector.broadcast %add3A_1137 : i32 to vector<16xi32>
        %add3A_1139 = arith.addi %add3A_1136, %add3A_1138 : vector<16xi32>
        tpu.vector_store_idx %arg7[%add3A_1139], %mul3A_754 masked %gt3A_1131 {add = true} : memref<122896xf32, #tpu.memory_space<vmem>>[vector<16xi32>], vector<16xf32>, vector<16xi1>
        %add3A_1140 = arith.constant 3840 : i32
        %add3A_1141 = vector.broadcast %add3A_1140 : i32 to vector<16xi32>
        %add3A_1142 = arith.addi %add3A_1136, %add3A_1141 : vector<16xi32>
        tpu.vector_store_idx %arg7[%add3A_1142], %sub3A_234 masked %gt3A_1131 {add = true} : memref<122896xf32, #tpu.memory_space<vmem>>[vector<16xi32>], vector<16xf32>, vector<16xi1>
        %eq3A_1143 = arith.constant 7 : i32
        %eq3A_1144 = vector.broadcast %eq3A_1143 : i32 to vector<16xi32>
        %eq3A_1145 = arith.cmpi eq, %sub3A_171, %eq3A_1144 : vector<16xi32>
        %and3A_1146 = arith.andi %gt3A_1131, %eq3A_1145 : vector<16xi1>
        %add3A_1147 = arith.constant 5760 : i32
        %add3A_1148 = vector.broadcast %add3A_1147 : i32 to vector<16xi32>
        %add3A_1149 = arith.addi %add3A_1136, %add3A_1148 : vector<16xi32>
        tpu.vector_store_idx %arg7[%add3A_1149], %broadcast_in_dim3A_32 masked %and3A_1146 {add = true} : memref<122896xf32, #tpu.memory_space<vmem>>[vector<16xi32>], vector<16xf32>, vector<16xi1>
      }
      %scan3A_161 = arith.constant 16 : i32
    }
    %scan3A_45 = arith.constant 128 : i32
    %scan3A_46 = arith.constant 0 : i32
    %scan3A_47 = arith.constant 0 : i32
    %scan3A_48 = arith.constant 480 : i32
    %scan3A_49 = arith.addi %scan3A_47, %scan3A_48 : i32
    %scan3A_50 = arith.constant 1 : i32
    scf.for %scan3A_60 = %scan3A_47 to %scan3A_49 step %scan3A_50  : i32 {
      %mul3A_61 = arith.constant 16 : i32
      %mul3A_62 = arith.muli %scan3A_60, %mul3A_61 : i32
      %get3A = arith.index_cast %mul3A_62 : i32 to index
      %get3A_63 = tpu.vector_load %arg7[%get3A] {strides = array<i32>} : memref<122896xf32, #tpu.memory_space<vmem>>, vector<16xf32>,
      %mul3A_64 = arith.constant 16 : i32
      %mul3A_65 = arith.muli %scan3A_60, %mul3A_64 : i32
      %add3A_66 = arith.constant 7681 : i32
      %add3A_67 = arith.addi %add3A_66, %mul3A_65 : i32
      %add3A_68 = vector.broadcast %add3A_67 : i32 to vector<16xi32>
      %add3A_69 = arith.addi %iota3A, %add3A_68 : vector<16xi32>
      %gather3A = tpu.vector_load_idx %arg7[%add3A_69] : memref<122896xf32, #tpu.memory_space<vmem>>[vector<16xi32>], vector<16xf32>,
      %mul3A_70 = arith.constant 16 : i32
      %mul3A_71 = arith.muli %scan3A_60, %mul3A_70 : i32
      %add3A_72 = arith.constant 15362 : i32
      %add3A_73 = arith.addi %add3A_72, %mul3A_71 : i32
      %add3A_74 = vector.broadcast %add3A_73 : i32 to vector<16xi32>
      %add3A_75 = arith.addi %iota3A, %add3A_74 : vector<16xi32>
      %gather3A_76 = tpu.vector_load_idx %arg7[%add3A_75] : memref<122896xf32, #tpu.memory_space<vmem>>[vector<16xi32>], vector<16xf32>,
      %mul3A_77 = arith.constant 16 : i32
      %mul3A_78 = arith.muli %scan3A_60, %mul3A_77 : i32
      %add3A_79 = arith.constant 23043 : i32
      %add3A_80 = arith.addi %add3A_79, %mul3A_78 : i32
      %add3A_81 = vector.broadcast %add3A_80 : i32 to vector<16xi32>
      %add3A_82 = arith.addi %iota3A, %add3A_81 : vector<16xi32>
      %gather3A_83 = tpu.vector_load_idx %arg7[%add3A_82] : memref<122896xf32, #tpu.memory_space<vmem>>[vector<16xi32>], vector<16xf32>,
      %mul3A_84 = arith.constant 16 : i32
      %mul3A_85 = arith.muli %scan3A_60, %mul3A_84 : i32
      %add3A_86 = arith.constant 30724 : i32
      %add3A_87 = arith.addi %add3A_86, %mul3A_85 : i32
      %add3A_88 = vector.broadcast %add3A_87 : i32 to vector<16xi32>
      %add3A_89 = arith.addi %iota3A, %add3A_88 : vector<16xi32>
      %gather3A_90 = tpu.vector_load_idx %arg7[%add3A_89] : memref<122896xf32, #tpu.memory_space<vmem>>[vector<16xi32>], vector<16xf32>,
      %mul3A_91 = arith.constant 16 : i32
      %mul3A_92 = arith.muli %scan3A_60, %mul3A_91 : i32
      %add3A_93 = arith.constant 38405 : i32
      %add3A_94 = arith.addi %add3A_93, %mul3A_92 : i32
      %add3A_95 = vector.broadcast %add3A_94 : i32 to vector<16xi32>
      %add3A_96 = arith.addi %iota3A, %add3A_95 : vector<16xi32>
      %gather3A_97 = tpu.vector_load_idx %arg7[%add3A_96] : memref<122896xf32, #tpu.memory_space<vmem>>[vector<16xi32>], vector<16xf32>,
      %mul3A_98 = arith.constant 16 : i32
      %mul3A_99 = arith.muli %scan3A_60, %mul3A_98 : i32
      %add3A_100 = arith.constant 46086 : i32
      %add3A_101 = arith.addi %add3A_100, %mul3A_99 : i32
      %add3A_102 = vector.broadcast %add3A_101 : i32 to vector<16xi32>
      %add3A_103 = arith.addi %iota3A, %add3A_102 : vector<16xi32>
      %gather3A_104 = tpu.vector_load_idx %arg7[%add3A_103] : memref<122896xf32, #tpu.memory_space<vmem>>[vector<16xi32>], vector<16xf32>,
      %mul3A_105 = arith.constant 16 : i32
      %mul3A_106 = arith.muli %scan3A_60, %mul3A_105 : i32
      %add3A_107 = arith.constant 53767 : i32
      %add3A_108 = arith.addi %add3A_107, %mul3A_106 : i32
      %add3A_109 = vector.broadcast %add3A_108 : i32 to vector<16xi32>
      %add3A_110 = arith.addi %iota3A, %add3A_109 : vector<16xi32>
      %gather3A_111 = tpu.vector_load_idx %arg7[%add3A_110] : memref<122896xf32, #tpu.memory_space<vmem>>[vector<16xi32>], vector<16xf32>,
      %mul3A_112 = arith.constant 16 : i32
      %mul3A_113 = arith.muli %scan3A_60, %mul3A_112 : i32
      %add3A_114 = arith.constant 61448 : i32
      %add3A_115 = arith.addi %add3A_114, %mul3A_113 : i32
      %add3A_116 = vector.broadcast %add3A_115 : i32 to vector<16xi32>
      %add3A_117 = arith.addi %iota3A, %add3A_116 : vector<16xi32>
      %gather3A_118 = tpu.vector_load_idx %arg7[%add3A_117] : memref<122896xf32, #tpu.memory_space<vmem>>[vector<16xi32>], vector<16xf32>,
      %mul3A_119 = arith.constant 16 : i32
      %mul3A_120 = arith.muli %scan3A_60, %mul3A_119 : i32
      %add3A_121 = arith.constant 69129 : i32
      %add3A_122 = arith.addi %add3A_121, %mul3A_120 : i32
      %add3A_123 = vector.broadcast %add3A_122 : i32 to vector<16xi32>
      %add3A_124 = arith.addi %iota3A, %add3A_123 : vector<16xi32>
      %gather3A_125 = tpu.vector_load_idx %arg7[%add3A_124] : memref<122896xf32, #tpu.memory_space<vmem>>[vector<16xi32>], vector<16xf32>,
      %mul3A_126 = arith.constant 16 : i32
      %mul3A_127 = arith.muli %scan3A_60, %mul3A_126 : i32
      %add3A_128 = arith.constant 76810 : i32
      %add3A_129 = arith.addi %add3A_128, %mul3A_127 : i32
      %add3A_130 = vector.broadcast %add3A_129 : i32 to vector<16xi32>
      %add3A_131 = arith.addi %iota3A, %add3A_130 : vector<16xi32>
      %gather3A_132 = tpu.vector_load_idx %arg7[%add3A_131] : memref<122896xf32, #tpu.memory_space<vmem>>[vector<16xi32>], vector<16xf32>,
      %mul3A_133 = arith.constant 16 : i32
      %mul3A_134 = arith.muli %scan3A_60, %mul3A_133 : i32
      %add3A_135 = arith.constant 84491 : i32
      %add3A_136 = arith.addi %add3A_135, %mul3A_134 : i32
      %add3A_137 = vector.broadcast %add3A_136 : i32 to vector<16xi32>
      %add3A_138 = arith.addi %iota3A, %add3A_137 : vector<16xi32>
      %gather3A_139 = tpu.vector_load_idx %arg7[%add3A_138] : memref<122896xf32, #tpu.memory_space<vmem>>[vector<16xi32>], vector<16xf32>,
      %mul3A_140 = arith.constant 16 : i32
      %mul3A_141 = arith.muli %scan3A_60, %mul3A_140 : i32
      %add3A_142 = arith.constant 92172 : i32
      %add3A_143 = arith.addi %add3A_142, %mul3A_141 : i32
      %add3A_144 = vector.broadcast %add3A_143 : i32 to vector<16xi32>
      %add3A_145 = arith.addi %iota3A, %add3A_144 : vector<16xi32>
      %gather3A_146 = tpu.vector_load_idx %arg7[%add3A_145] : memref<122896xf32, #tpu.memory_space<vmem>>[vector<16xi32>], vector<16xf32>,
      %mul3A_147 = arith.constant 16 : i32
      %mul3A_148 = arith.muli %scan3A_60, %mul3A_147 : i32
      %add3A_149 = arith.constant 99853 : i32
      %add3A_150 = arith.addi %add3A_149, %mul3A_148 : i32
      %add3A_151 = vector.broadcast %add3A_150 : i32 to vector<16xi32>
      %add3A_152 = arith.addi %iota3A, %add3A_151 : vector<16xi32>
      %gather3A_153 = tpu.vector_load_idx %arg7[%add3A_152] : memref<122896xf32, #tpu.memory_space<vmem>>[vector<16xi32>], vector<16xf32>,
      %mul3A_154 = arith.constant 16 : i32
      %mul3A_155 = arith.muli %scan3A_60, %mul3A_154 : i32
      %add3A_156 = arith.constant 107534 : i32
      %add3A_157 = arith.addi %add3A_156, %mul3A_155 : i32
      %add3A_158 = vector.broadcast %add3A_157 : i32 to vector<16xi32>
      %add3A_159 = arith.addi %iota3A, %add3A_158 : vector<16xi32>
      %gather3A_160 = tpu.vector_load_idx %arg7[%add3A_159] : memref<122896xf32, #tpu.memory_space<vmem>>[vector<16xi32>], vector<16xf32>,
      %mul3A_161 = arith.constant 16 : i32
      %mul3A_162 = arith.muli %scan3A_60, %mul3A_161 : i32
      %add3A_163 = arith.constant 115215 : i32
      %add3A_164 = arith.addi %add3A_163, %mul3A_162 : i32
      %add3A_165 = vector.broadcast %add3A_164 : i32 to vector<16xi32>
      %add3A_166 = arith.addi %iota3A, %add3A_165 : vector<16xi32>
      %gather3A_167 = tpu.vector_load_idx %arg7[%add3A_166] : memref<122896xf32, #tpu.memory_space<vmem>>[vector<16xi32>], vector<16xf32>,
      %add3A_168 = arith.addf %get3A_63, %gather3A : vector<16xf32>
      %add3A_169 = arith.addf %gather3A_76, %gather3A_83 : vector<16xf32>
      %add3A_170 = arith.addf %gather3A_90, %gather3A_97 : vector<16xf32>
      %add3A_171 = arith.addf %gather3A_104, %gather3A_111 : vector<16xf32>
      %add3A_172 = arith.addf %gather3A_118, %gather3A_125 : vector<16xf32>
      %add3A_173 = arith.addf %gather3A_132, %gather3A_139 : vector<16xf32>
      %add3A_174 = arith.addf %gather3A_146, %gather3A_153 : vector<16xf32>
      %add3A_175 = arith.addf %gather3A_160, %gather3A_167 : vector<16xf32>
      %add3A_176 = arith.addf %add3A_168, %add3A_169 : vector<16xf32>
      %add3A_177 = arith.addf %add3A_170, %add3A_171 : vector<16xf32>
      %add3A_178 = arith.addf %add3A_172, %add3A_173 : vector<16xf32>
      %add3A_179 = arith.addf %add3A_174, %add3A_175 : vector<16xf32>
      %add3A_180 = arith.addf %add3A_176, %add3A_177 : vector<16xf32>
      %add3A_181 = arith.addf %add3A_178, %add3A_179 : vector<16xf32>
      %add3A_182 = arith.addf %add3A_180, %add3A_181 : vector<16xf32>
      %mul3A_183 = arith.constant 16 : i32
      %mul3A_184 = arith.muli %scan3A_60, %mul3A_183 : i32
      %swap3A_185 = arith.index_cast %mul3A_184 : i32 to index
      %swap3A_186 = tpu.vector_load %arg7[%swap3A_185] {strides = array<i32>} : memref<122896xf32, #tpu.memory_space<vmem>>, vector<16xf32>,
      tpu.vector_store %arg7[%swap3A_185], %add3A_182 {strides = array<i32>} : memref<122896xf32, #tpu.memory_space<vmem>>, vector<16xf32>,
    }
    %scan3A_51 = arith.constant 480 : i32
    %add3A_52 = arith.constant 0 : i32
    %add3A_53 = arith.addi %add3A_52, %add3A : i32
    "tpu.region"() ({
      %run_scoped3A = tpu.sem_alloc : memref<!tpu.dma_semaphore, #tpu.memory_space<semaphore_mem>>
      %dma_start3A_60 = arith.constant 0 : i32
      %dma_start3A_61 = tpu.memref_slice %arg7[%dma_start3A_60] : memref<122896xf32, #tpu.memory_space<vmem>> -> memref<1920xf32, #tpu.memory_space<vmem>>
      %dma_start3A_62 = arith.constant 0 : i32
      %dma_start3A_63 = tpu.memref_slice %arg4[%add3A_53, %dma_start3A_62] : memref<128x1920xf32, #tpu.memory_space<hbm>> -> memref<1x1920xf32, #tpu.memory_space<hbm>>
      %dma_start3A_64 = tpu.memref_squeeze %dma_start3A_63 : memref<1x1920xf32, #tpu.memory_space<hbm>> -> memref<1920xf32, #tpu.memory_space<hbm>>
      %dma_start3A_65 = arith.constant 0 : i32
      %dma_start3A_66 = tpu.memref_slice %arg4[%add3A_53, %dma_start3A_65] : memref<128x1920xf32, #tpu.memory_space<hbm>> -> memref<1x1920xf32, #tpu.memory_space<hbm>>
      %dma_start3A_67 = tpu.memref_squeeze %dma_start3A_66 : memref<1x1920xf32, #tpu.memory_space<hbm>> -> memref<1920xf32, #tpu.memory_space<hbm>>
      %dma_start3A_68 = arith.constant 0 : i32
      %dma_start3A_69 = tpu.memref_slice %arg7[%dma_start3A_68] : memref<122896xf32, #tpu.memory_space<vmem>> -> memref<1920xf32, #tpu.memory_space<vmem>>
      tpu.enqueue_dma source(%dma_start3A_69 : memref<1920xf32, #tpu.memory_space<vmem>>) target(%dma_start3A_67 : memref<1920xf32, #tpu.memory_space<hbm>>) target_semaphore(%run_scoped3A : memref<!tpu.dma_semaphore, #tpu.memory_space<semaphore_mem>>)
      %dma_wait3A = arith.constant 0 : i32
      %dma_wait3A_70 = tpu.memref_slice %arg7[%dma_wait3A] : memref<122896xf32, #tpu.memory_space<vmem>> -> memref<1920xf32, #tpu.memory_space<vmem>>
      %dma_wait3A_71 = arith.constant 0 : i32
      %dma_wait3A_72 = tpu.memref_slice %arg4[%add3A_53, %dma_wait3A_71] : memref<128x1920xf32, #tpu.memory_space<hbm>> -> memref<1x1920xf32, #tpu.memory_space<hbm>>
      %dma_wait3A_73 = tpu.memref_squeeze %dma_wait3A_72 : memref<1x1920xf32, #tpu.memory_space<hbm>> -> memref<1920xf32, #tpu.memory_space<hbm>>
      %dma_wait3A_74 = arith.constant 0 : i32
      %dma_wait3A_75 = tpu.memref_slice %arg4[%add3A_53, %dma_wait3A_74] : memref<128x1920xf32, #tpu.memory_space<hbm>> -> memref<1x1920xf32, #tpu.memory_space<hbm>>
      %dma_wait3A_76 = tpu.memref_squeeze %dma_wait3A_75 : memref<1x1920xf32, #tpu.memory_space<hbm>> -> memref<1920xf32, #tpu.memory_space<hbm>>
      %dma_wait3A_77 = arith.constant 0 : i32
      %dma_wait3A_78 = tpu.memref_slice %arg7[%dma_wait3A_77] : memref<122896xf32, #tpu.memory_space<vmem>> -> memref<1920xf32, #tpu.memory_space<vmem>>
      tpu.wait_dma2 semaphore(%run_scoped3A : memref<!tpu.dma_semaphore, #tpu.memory_space<semaphore_mem>>) src(%dma_wait3A_78 : memref<1920xf32, #tpu.memory_space<vmem>>) dst(%dma_wait3A_76 : memref<1920xf32, #tpu.memory_space<hbm>>)
      tpu.yield
    }) : () -> ()
    %add3A_54 = arith.constant 32 : i32
    %add3A_55 = arith.addi %add3A_54, %add3A : i32
    "tpu.region"() ({
      %run_scoped3A = tpu.sem_alloc : memref<!tpu.dma_semaphore, #tpu.memory_space<semaphore_mem>>
      %dma_start3A_60 = arith.constant 1920 : i32
      %dma_start3A_61 = tpu.memref_slice %arg7[%dma_start3A_60] : memref<122896xf32, #tpu.memory_space<vmem>> -> memref<1920xf32, #tpu.memory_space<vmem>>
      %dma_start3A_62 = arith.constant 0 : i32
      %dma_start3A_63 = tpu.memref_slice %arg4[%add3A_55, %dma_start3A_62] : memref<128x1920xf32, #tpu.memory_space<hbm>> -> memref<1x1920xf32, #tpu.memory_space<hbm>>
      %dma_start3A_64 = tpu.memref_squeeze %dma_start3A_63 : memref<1x1920xf32, #tpu.memory_space<hbm>> -> memref<1920xf32, #tpu.memory_space<hbm>>
      %dma_start3A_65 = arith.constant 0 : i32
      %dma_start3A_66 = tpu.memref_slice %arg4[%add3A_55, %dma_start3A_65] : memref<128x1920xf32, #tpu.memory_space<hbm>> -> memref<1x1920xf32, #tpu.memory_space<hbm>>
      %dma_start3A_67 = tpu.memref_squeeze %dma_start3A_66 : memref<1x1920xf32, #tpu.memory_space<hbm>> -> memref<1920xf32, #tpu.memory_space<hbm>>
      %dma_start3A_68 = arith.constant 1920 : i32
      %dma_start3A_69 = tpu.memref_slice %arg7[%dma_start3A_68] : memref<122896xf32, #tpu.memory_space<vmem>> -> memref<1920xf32, #tpu.memory_space<vmem>>
      tpu.enqueue_dma source(%dma_start3A_69 : memref<1920xf32, #tpu.memory_space<vmem>>) target(%dma_start3A_67 : memref<1920xf32, #tpu.memory_space<hbm>>) target_semaphore(%run_scoped3A : memref<!tpu.dma_semaphore, #tpu.memory_space<semaphore_mem>>)
      %dma_wait3A = arith.constant 1920 : i32
      %dma_wait3A_70 = tpu.memref_slice %arg7[%dma_wait3A] : memref<122896xf32, #tpu.memory_space<vmem>> -> memref<1920xf32, #tpu.memory_space<vmem>>
      %dma_wait3A_71 = arith.constant 0 : i32
      %dma_wait3A_72 = tpu.memref_slice %arg4[%add3A_55, %dma_wait3A_71] : memref<128x1920xf32, #tpu.memory_space<hbm>> -> memref<1x1920xf32, #tpu.memory_space<hbm>>
      %dma_wait3A_73 = tpu.memref_squeeze %dma_wait3A_72 : memref<1x1920xf32, #tpu.memory_space<hbm>> -> memref<1920xf32, #tpu.memory_space<hbm>>
      %dma_wait3A_74 = arith.constant 0 : i32
      %dma_wait3A_75 = tpu.memref_slice %arg4[%add3A_55, %dma_wait3A_74] : memref<128x1920xf32, #tpu.memory_space<hbm>> -> memref<1x1920xf32, #tpu.memory_space<hbm>>
      %dma_wait3A_76 = tpu.memref_squeeze %dma_wait3A_75 : memref<1x1920xf32, #tpu.memory_space<hbm>> -> memref<1920xf32, #tpu.memory_space<hbm>>
      %dma_wait3A_77 = arith.constant 1920 : i32
      %dma_wait3A_78 = tpu.memref_slice %arg7[%dma_wait3A_77] : memref<122896xf32, #tpu.memory_space<vmem>> -> memref<1920xf32, #tpu.memory_space<vmem>>
      tpu.wait_dma2 semaphore(%run_scoped3A : memref<!tpu.dma_semaphore, #tpu.memory_space<semaphore_mem>>) src(%dma_wait3A_78 : memref<1920xf32, #tpu.memory_space<vmem>>) dst(%dma_wait3A_76 : memref<1920xf32, #tpu.memory_space<hbm>>)
      tpu.yield
    }) : () -> ()
    %add3A_56 = arith.constant 64 : i32
    %add3A_57 = arith.addi %add3A_56, %add3A : i32
    "tpu.region"() ({
      %run_scoped3A = tpu.sem_alloc : memref<!tpu.dma_semaphore, #tpu.memory_space<semaphore_mem>>
      %dma_start3A_60 = arith.constant 3840 : i32
      %dma_start3A_61 = tpu.memref_slice %arg7[%dma_start3A_60] : memref<122896xf32, #tpu.memory_space<vmem>> -> memref<1920xf32, #tpu.memory_space<vmem>>
      %dma_start3A_62 = arith.constant 0 : i32
      %dma_start3A_63 = tpu.memref_slice %arg4[%add3A_57, %dma_start3A_62] : memref<128x1920xf32, #tpu.memory_space<hbm>> -> memref<1x1920xf32, #tpu.memory_space<hbm>>
      %dma_start3A_64 = tpu.memref_squeeze %dma_start3A_63 : memref<1x1920xf32, #tpu.memory_space<hbm>> -> memref<1920xf32, #tpu.memory_space<hbm>>
      %dma_start3A_65 = arith.constant 0 : i32
      %dma_start3A_66 = tpu.memref_slice %arg4[%add3A_57, %dma_start3A_65] : memref<128x1920xf32, #tpu.memory_space<hbm>> -> memref<1x1920xf32, #tpu.memory_space<hbm>>
      %dma_start3A_67 = tpu.memref_squeeze %dma_start3A_66 : memref<1x1920xf32, #tpu.memory_space<hbm>> -> memref<1920xf32, #tpu.memory_space<hbm>>
      %dma_start3A_68 = arith.constant 3840 : i32
      %dma_start3A_69 = tpu.memref_slice %arg7[%dma_start3A_68] : memref<122896xf32, #tpu.memory_space<vmem>> -> memref<1920xf32, #tpu.memory_space<vmem>>
      tpu.enqueue_dma source(%dma_start3A_69 : memref<1920xf32, #tpu.memory_space<vmem>>) target(%dma_start3A_67 : memref<1920xf32, #tpu.memory_space<hbm>>) target_semaphore(%run_scoped3A : memref<!tpu.dma_semaphore, #tpu.memory_space<semaphore_mem>>)
      %dma_wait3A = arith.constant 3840 : i32
      %dma_wait3A_70 = tpu.memref_slice %arg7[%dma_wait3A] : memref<122896xf32, #tpu.memory_space<vmem>> -> memref<1920xf32, #tpu.memory_space<vmem>>
      %dma_wait3A_71 = arith.constant 0 : i32
      %dma_wait3A_72 = tpu.memref_slice %arg4[%add3A_57, %dma_wait3A_71] : memref<128x1920xf32, #tpu.memory_space<hbm>> -> memref<1x1920xf32, #tpu.memory_space<hbm>>
      %dma_wait3A_73 = tpu.memref_squeeze %dma_wait3A_72 : memref<1x1920xf32, #tpu.memory_space<hbm>> -> memref<1920xf32, #tpu.memory_space<hbm>>
      %dma_wait3A_74 = arith.constant 0 : i32
      %dma_wait3A_75 = tpu.memref_slice %arg4[%add3A_57, %dma_wait3A_74] : memref<128x1920xf32, #tpu.memory_space<hbm>> -> memref<1x1920xf32, #tpu.memory_space<hbm>>
      %dma_wait3A_76 = tpu.memref_squeeze %dma_wait3A_75 : memref<1x1920xf32, #tpu.memory_space<hbm>> -> memref<1920xf32, #tpu.memory_space<hbm>>
      %dma_wait3A_77 = arith.constant 3840 : i32
      %dma_wait3A_78 = tpu.memref_slice %arg7[%dma_wait3A_77] : memref<122896xf32, #tpu.memory_space<vmem>> -> memref<1920xf32, #tpu.memory_space<vmem>>
      tpu.wait_dma2 semaphore(%run_scoped3A : memref<!tpu.dma_semaphore, #tpu.memory_space<semaphore_mem>>) src(%dma_wait3A_78 : memref<1920xf32, #tpu.memory_space<vmem>>) dst(%dma_wait3A_76 : memref<1920xf32, #tpu.memory_space<hbm>>)
      tpu.yield
    }) : () -> ()
    %add3A_58 = arith.constant 96 : i32
    %add3A_59 = arith.addi %add3A_58, %add3A : i32
    "tpu.region"() ({
      %run_scoped3A = tpu.sem_alloc : memref<!tpu.dma_semaphore, #tpu.memory_space<semaphore_mem>>
      %dma_start3A_60 = arith.constant 5760 : i32
      %dma_start3A_61 = tpu.memref_slice %arg7[%dma_start3A_60] : memref<122896xf32, #tpu.memory_space<vmem>> -> memref<1920xf32, #tpu.memory_space<vmem>>
      %dma_start3A_62 = arith.constant 0 : i32
      %dma_start3A_63 = tpu.memref_slice %arg4[%add3A_59, %dma_start3A_62] : memref<128x1920xf32, #tpu.memory_space<hbm>> -> memref<1x1920xf32, #tpu.memory_space<hbm>>
      %dma_start3A_64 = tpu.memref_squeeze %dma_start3A_63 : memref<1x1920xf32, #tpu.memory_space<hbm>> -> memref<1920xf32, #tpu.memory_space<hbm>>
      %dma_start3A_65 = arith.constant 0 : i32
      %dma_start3A_66 = tpu.memref_slice %arg4[%add3A_59, %dma_start3A_65] : memref<128x1920xf32, #tpu.memory_space<hbm>> -> memref<1x1920xf32, #tpu.memory_space<hbm>>
      %dma_start3A_67 = tpu.memref_squeeze %dma_start3A_66 : memref<1x1920xf32, #tpu.memory_space<hbm>> -> memref<1920xf32, #tpu.memory_space<hbm>>
      %dma_start3A_68 = arith.constant 5760 : i32
      %dma_start3A_69 = tpu.memref_slice %arg7[%dma_start3A_68] : memref<122896xf32, #tpu.memory_space<vmem>> -> memref<1920xf32, #tpu.memory_space<vmem>>
      tpu.enqueue_dma source(%dma_start3A_69 : memref<1920xf32, #tpu.memory_space<vmem>>) target(%dma_start3A_67 : memref<1920xf32, #tpu.memory_space<hbm>>) target_semaphore(%run_scoped3A : memref<!tpu.dma_semaphore, #tpu.memory_space<semaphore_mem>>)
      %dma_wait3A = arith.constant 5760 : i32
      %dma_wait3A_70 = tpu.memref_slice %arg7[%dma_wait3A] : memref<122896xf32, #tpu.memory_space<vmem>> -> memref<1920xf32, #tpu.memory_space<vmem>>
      %dma_wait3A_71 = arith.constant 0 : i32
      %dma_wait3A_72 = tpu.memref_slice %arg4[%add3A_59, %dma_wait3A_71] : memref<128x1920xf32, #tpu.memory_space<hbm>> -> memref<1x1920xf32, #tpu.memory_space<hbm>>
      %dma_wait3A_73 = tpu.memref_squeeze %dma_wait3A_72 : memref<1x1920xf32, #tpu.memory_space<hbm>> -> memref<1920xf32, #tpu.memory_space<hbm>>
      %dma_wait3A_74 = arith.constant 0 : i32
      %dma_wait3A_75 = tpu.memref_slice %arg4[%add3A_59, %dma_wait3A_74] : memref<128x1920xf32, #tpu.memory_space<hbm>> -> memref<1x1920xf32, #tpu.memory_space<hbm>>
      %dma_wait3A_76 = tpu.memref_squeeze %dma_wait3A_75 : memref<1x1920xf32, #tpu.memory_space<hbm>> -> memref<1920xf32, #tpu.memory_space<hbm>>
      %dma_wait3A_77 = arith.constant 5760 : i32
      %dma_wait3A_78 = tpu.memref_slice %arg7[%dma_wait3A_77] : memref<122896xf32, #tpu.memory_space<vmem>> -> memref<1920xf32, #tpu.memory_space<vmem>>
      tpu.wait_dma2 semaphore(%run_scoped3A : memref<!tpu.dma_semaphore, #tpu.memory_space<semaphore_mem>>) src(%dma_wait3A_78 : memref<1920xf32, #tpu.memory_space<vmem>>) dst(%dma_wait3A_76 : memref<1920xf32, #tpu.memory_space<hbm>>)
      tpu.yield
    }) : () -> ()
    return
  }
}

module attributes {stable_mosaic.version = 14 : i64} {
  func.func @_tc_finish(%arg0: memref<128x1920xf32, #tpu.memory_space<vmem>>, %arg1: memref<1x1xf32, #tpu.memory_space<vmem>>) attributes {dimension_semantics = [], scalar_prefetch = 0 : i64, scratch_operands = 0 : i64, tpu.core_type = #tpu.core_type<tc>} {
    %get3A = arith.constant 0 : index
    %get3A_0 = arith.constant 0 : index
    %get3A_1 = vector.load %arg0[%get3A, %get3A_0] : memref<128x1920xf32, #tpu.memory_space<vmem>>, vector<128x1920xf32>
    %reshape3A = vector.shape_cast %get3A_1 : vector<128x1920xf32> to vector<4x32x1920xf32>
    %reduce_sum3A = arith.constant dense<0.000000e+00> : vector<4x1920xf32>
    %reduce_sum3A_2 = vector.multi_reduction <add>, %reshape3A, %reduce_sum3A [1] : vector<4x32x1920xf32> to vector<4x1920xf32>
    %slice3A = vector.extract_strided_slice %reduce_sum3A_2 {offsets = [0, 0], sizes = [1, 1920], strides = [1, 1]} : vector<4x1920xf32> to vector<1x1920xf32>
    %slice3A_3 = vector.extract_strided_slice %reduce_sum3A_2 {offsets = [1, 0], sizes = [1, 1920], strides = [1, 1]} : vector<4x1920xf32> to vector<1x1920xf32>
    %slice3A_4 = vector.extract_strided_slice %reduce_sum3A_2 {offsets = [2, 0], sizes = [1, 1920], strides = [1, 1]} : vector<4x1920xf32> to vector<1x1920xf32>
    %slice3A_5 = vector.extract_strided_slice %reduce_sum3A_2 {offsets = [3, 0], sizes = [1, 1920], strides = [1, 1]} : vector<4x1920xf32> to vector<1x1920xf32>
    %max3A = arith.constant 1.000000e+00 : f32
    %max3A_6 = vector.broadcast %max3A : f32 to vector<1x1920xf32>
    %max3A_7 = arith.maximumf %slice3A, %max3A_6 : vector<1x1920xf32>
    %sub3A = arith.subf %slice3A, %slice3A_5 : vector<1x1920xf32>
    %div3A = arith.divf %sub3A, %max3A_7 : vector<1x1920xf32>
    %jit3A = arith.constant 1.401300e-45 : f32
    %max3A_8 = vector.broadcast %jit3A : f32 to vector<1x1920xf32>
    %max3A_9 = arith.maximumf %max3A_8, %div3A : vector<1x1920xf32>
    %div3A_10 = arith.divf %slice3A_5, %max3A_7 : vector<1x1920xf32>
    %jit3A_11 = arith.constant 1.401300e-45 : f32
    %max3A_12 = vector.broadcast %jit3A_11 : f32 to vector<1x1920xf32>
    %max3A_13 = arith.maximumf %max3A_12, %div3A_10 : vector<1x1920xf32>
    %log3A = math.log %max3A_9 : vector<1x1920xf32>
    %mul3A = arith.mulf %max3A_9, %log3A : vector<1x1920xf32>
    %log3A_14 = math.log %max3A_13 : vector<1x1920xf32>
    %mul3A_15 = arith.mulf %max3A_13, %log3A_14 : vector<1x1920xf32>
    %add3A = arith.addf %mul3A, %mul3A_15 : vector<1x1920xf32>
    %mul3A_16 = arith.mulf %slice3A, %add3A : vector<1x1920xf32>
    %mul3A_17 = arith.mulf %max3A_9, %slice3A_3 : vector<1x1920xf32>
    %sub3A_18 = arith.subf %mul3A_16, %mul3A_17 : vector<1x1920xf32>
    %mul3A_19 = arith.mulf %max3A_13, %slice3A_4 : vector<1x1920xf32>
    %sub3A_20 = arith.subf %sub3A_18, %mul3A_19 : vector<1x1920xf32>
    %reduce_sum3A_21 = vector.shape_cast %sub3A_20 : vector<1x1920xf32> to vector<1x1x1920xf32>
    %reduce_sum3A_22 = arith.constant dense<0.000000e+00> : vector<1xf32>
    %reduce_sum3A_23 = vector.multi_reduction <add>, %reduce_sum3A_21, %reduce_sum3A_22 [1, 2] : vector<1x1x1920xf32> to vector<1xf32>
    %reduce_sum3A_24 = vector.shape_cast %reduce_sum3A_23 : vector<1xf32> to vector<1x1x1xf32>
    %reduce_sum3A_25 = vector.extract %reduce_sum3A_24[0, 0, 0] : f32 from vector<1x1x1xf32>
    %div3A_26 = arith.constant 0x4B000000 : f32
    %div3A_27 = arith.divf %reduce_sum3A_25, %div3A_26 : f32
    %reshape3A_28 = vector.broadcast %div3A_27 : f32 to vector<1x1xf32>
    %swap3A = arith.constant 0 : index
    %swap3A_29 = arith.constant 0 : index
    %swap3A_30 = vector.load %arg1[%swap3A, %swap3A_29] : memref<1x1xf32, #tpu.memory_space<vmem>>, vector<1x1xf32>
    tpu.vector_store %arg1[%swap3A, %swap3A_29], %reshape3A_28 {strides = array<i32>} : memref<1x1xf32, #tpu.memory_space<vmem>>, vector<1x1xf32>,
    return
  }
}

</mosaic_0001>

<sc_bundles>
// kernel: kernel.4.cloned.1.call-start
scs
__scs_entry_jumppad:
0x0: {  	(pc) =	sbr.rel $0x88, $3  }
0x1: {  	(tag) =	ssettag $0x0;
	lr =	simm.s32 $0x1  }
0x2: {  	[smem:$0x3F9F] =	sst lr;
	_ =	strace $0xD0000000  }
0x3: {  	_ = 	snop  }
0x4: {  	_ = 	snop  }
0x5: {  	_ = 	snop  }
0x6: {  	_ = 	snop  }
0x7: {  	_ = 	snop  }
__scs_overlays_trampoline_lowered:
0x8: {  	[smem:$0x3FAE] =	sst s0  }
0x9: {  	[smem:$0x3FAF] =	sst s1  }
0xa: {  	[smem:$0x3FB0] =	sst s2  }
0xb: {  	[smem:$0x3FB1] =	sst s3  }
0xc: {  	[smem:$0x3FB2] =	sst s4  }
0xd: {  	[smem:$0x3FB3] =	sst s5  }
0xe: {  	[smem:$0x3FB4] =	sst s6  }
0xf: {  	[smem:$0x3FB5] =	sst s7  }
0x10: {  	[smem:$0x3FB6] =	sst s8  }
0x11: {  	[smem:$0x3FB7] =	sst s9;
	s0 =	simm.s32 @!p0 $0x0  }
0x12: {  	s1 =	sld [smem:$0x3F9D];
	s0 =	simm.s32 @p0 $0x1  }
0x13: {  	[smem:$0x3FB8] =	sst s0;
	s0 =	simm.s32 @!p1 $0x0  }
0x14: {  	s2 =	sld [smem:$0x3F9C];
	s0 =	simm.s32 @p1 $0x1  }
0x15: {  	[smem:$0x3FB9] =	sst s0;
	s0 =	simm.s32 @!p2 $0x0  }
0x16: {  	s3 =	sld [smem:$0x3FDB];
	s0 =	simm.s32 @p2 $0x1  }
0x17: {  	s4 =	simm.s32 $0x1BF5;
	[smem:$0x3FBB] =	sst s0  }
0x18: {  	s0 =	sld [smem:$0x3F9E];
	_ =	swait.ge [sflag:s4], $0x0  }
0x19: {  	s7 =	sld [smem:$0x3F9F]  }
0x1a: {  	s8 =	sadd.s32 $0xFFFFE003, lr  }
0x1b: {  	s9 =	sadd.s32 $0xFFFFFEF7, lr;
	s5 =	simm.s32 $0xFFFFFFFF;
	p2 =	slt.u32 s8, $0xFFFFF086  }
0x1c: {  	p1 =	slt.u32 s9, $0xF7A;
	s5 =	simm.s32 @!p2 $0x0  }
0x1d: {  	s5 =	simm.s32 @p1 $0x1;
	p0 =	seq.s32 s7, s2  }
0x1e: {  	s7 =	smul.u32 @!p0 $0xF7A, s2;
	p2 =	seq.s32 @!p0 s5, $0x0  }
0x1f: {  	s9 =	smul.u32 $0xF7A, s1;
	s8 =	simm.s32 @!p0 $0x1BF5;
	p2 =	por !p2, p0  }
0x20: {  	[sflag:s8] =	ssyncset.s32 @!p0 $0xFFFFF086;
	s6 =	sadd.s32 @!p0 s3, s7;
	s7 =	simm.s32 @!p0 $0x108  }
0x21: {  	s3 =	sadd.s32 s3, s9;
	s6 =	sadd.s32 @!p0 $0x88, s6;
	s7 =	simm.s32 @p2 $0x1082  }
0x22: {  	[simem:s7], [sflag:s8] =	dma.local @!p0 [hbm:s6], $0xF7A  }
0x23: {  	s9 =	sor.u32 $0xD0000000, s2;
	s6 =	simm.s32 $0x108;
	_ =	swait.ge @!p0 [sflag:s8], $0x0  }
0x24: {  	s3 =	sadd.s32 $0x88, s3;
	s6 =	simm.s32 @!p1 $0x1082;
	[sflag:s4] =	ssyncset.s32 $0xFFFFF086  }
0x25: {  	[simem:s6], [sflag:s4] =	dma.local [hbm:s3], $0xF7A  }
0x26: {  	[smem:$0x3F9F] =	sst s1;
	(tag) =	ssettag s2;
	_ =	strace s9  }
0x27: {  	s1 =	sld [smem:$0x3FAF]  }
0x28: {  	s2 =	sld [smem:$0x3FB0]  }
0x29: {  	s4 =	sld [smem:$0x3FB2]  }
0x2a: {  	p0 =	seq.s32 s5, $0x0;
	s5 =	sld [smem:$0x3FB3]  }
0x2b: {  	s6 =	sld [smem:$0x3FB4]  }
0x2c: {  	s7 =	sld [smem:$0x3FB5]  }
0x2d: {  	s3 =	simm.s32 $0x108;
	s8 =	sld [smem:$0x3FB6]  }
0x2e: {  	s3 =	simm.s32 @!p0 $0x1082;
	s9 =	sld [smem:$0x3FB7]  }
0x2f: {  	lr =	sadd.s32 s0, s3;
	s0 =	sld [smem:$0x3FAE]  }
0x30: {  	s3 =	sld [smem:$0x3FB1]  }
0x31: {  	[smem:$0x3FBA] =	sst s10  }
0x32: {  	s10 =	sld [smem:$0x3FB8];
	_ =	sdelay $0x3  }
0x33: {  	p0 =	seq.s32 s10, $0x1;
	s10 =	sld [smem:$0x3FBA];
	_ =	sdelay $0x3  }
0x34: {  	[smem:$0x3FBA] =	sst s10  }
0x35: {  	s10 =	sld [smem:$0x3FB9];
	_ =	sdelay $0x3  }
0x36: {  	p1 =	seq.s32 s10, $0x1;
	s10 =	sld [smem:$0x3FBA];
	_ =	sdelay $0x3  }
0x37: {  	[smem:$0x3FBA] =	sst s10  }
0x38: {  	s10 =	sld [smem:$0x3FBB]  }
0x39: {  	_ = 	snop;
	(pc) =	sbr.ind lr, $3  }
0x3a: {  	_ = 	snop  }
0x3b: {  	_ = 	snop  }
0x3c: {  	p2 =	seq.s32 s10, $0x1;
	s10 =	sld [smem:$0x3FBA]  }
0x3d: {  	_ =	shalt  }
0x3e: {  	_ =	shalt  }
0x3f: {  	_ =	shalt  }
0x40: {  	_ =	shalt  }
0x41: {  	_ =	shalt  }
0x42: {  	_ =	shalt  }
0x43: {  	_ =	shalt  }
0x44: {  	_ =	shalt  }
0x45: {  	_ =	shalt  }
0x46: {  	_ =	shalt  }
0x47: {  	_ =	shalt  }
0x48: {  	_ =	shalt  }
0x49: {  	_ =	shalt  }
0x4a: {  	_ =	shalt  }
0x4b: {  	_ =	shalt  }
0x4c: {  	_ =	shalt  }
0x4d: {  	_ =	shalt  }
0x4e: {  	_ =	shalt  }
0x4f: {  	_ =	shalt  }
0x50: {  	_ =	shalt  }
0x51: {  	_ =	shalt  }
0x52: {  	_ =	shalt  }
0x53: {  	_ =	shalt  }
0x54: {  	_ =	shalt  }
0x55: {  	_ =	shalt  }
0x56: {  	_ =	shalt  }
0x57: {  	_ =	shalt  }
0x58: {  	_ =	shalt  }
0x59: {  	_ =	shalt  }
0x5a: {  	_ =	shalt  }
0x5b: {  	_ =	shalt  }
0x5c: {  	_ =	shalt  }
0x5d: {  	_ =	shalt  }
0x5e: {  	_ =	shalt  }
0x5f: {  	_ =	shalt  }
0x60: {  	_ =	shalt  }
0x61: {  	_ =	shalt  }
0x62: {  	_ =	shalt  }
0x63: {  	_ =	shalt  }
0x64: {  	_ =	shalt  }
0x65: {  	_ =	shalt  }
0x66: {  	_ =	shalt  }
0x67: {  	_ =	shalt  }
0x68: {  	_ =	shalt  }
0x69: {  	_ =	shalt  }
0x6a: {  	_ =	shalt  }
0x6b: {  	_ =	shalt  }
0x6c: {  	_ =	shalt  }
0x6d: {  	_ =	shalt  }
0x6e: {  	_ =	shalt  }
0x6f: {  	_ =	shalt  }
0x70: {  	_ =	shalt  }
0x71: {  	_ =	shalt  }
0x72: {  	_ =	shalt  }
0x73: {  	_ =	shalt  }
0x74: {  	_ =	shalt  }
0x75: {  	_ =	shalt  }
0x76: {  	_ =	shalt  }
0x77: {  	_ =	shalt  }
0x78: {  	_ =	shalt  }
0x79: {  	_ =	shalt  }
0x7a: {  	_ =	shalt  }
0x7b: {  	_ =	shalt  }
0x7c: {  	_ =	shalt  }
0x7d: {  	_ =	shalt  }
0x7e: {  	_ =	shalt  }
0x7f: {  	_ =	shalt  }
0x80: {  	_ =	shalt  }
0x81: {  	_ =	shalt  }
0x82: {  	_ =	shalt  }
0x83: {  	_ =	shalt  }
0x84: {  	_ =	shalt  }
0x85: {  	_ =	shalt  }
0x86: {  	_ =	shalt  }
0x87: {  	_ =	shalt  }
.Lfunc_end0:
.L_simem_size_0:
called_computation.1_lowered:
.L_overlay_start_0:
0x88: {  	s2 =	sld [smem:$0x3FD9]  }
0x89: {  	s3 =	sld [smem:$0x3FFE];
	_ =	sdelay $0x1  }
0x8a: {  	s1 =	srdreg.scid  }
0x8b: {  	s0 =	sand.u32 $0x1, s1  }
0x8c: {  	s17 =	sshll.u32 s0, $0xA;
	s2 =	sadd.s32 s3, s2  }
0x8d: {  	s2 =	sadd.s32 s2, s17  }
0x8e: {  	[smem:$0x3FC6] =	sst s2  }
0x8f: {  	_ = 	snop  }
0x90: {  	s2 =	sld [smem:$0x3FC8];
	(tm) =	ssettm $0x1  }
0x91: {  	s18 =	sld [smem:$0x3FFB];
	_ =	sdelay $0x3  }
0x92: {  	_ =	strace s18  }
0x93: {  	s3 =	sld [smem:$0x3FFC];
	_ =	sdelay $0x3  }
0x94: {  	_ =	strace s3  }
0x95: {  	s3 =	sld [smem:$0x3FFD];
	_ =	sdelay $0x3  }
0x96: {  	_ =	strace s3  }
0x97: {  	_ =	strace $0x8FFFFFFF  }
0x98: {  	s19 =	sld [smem:$0x3FDB];
	_ =	sdelay $0x1  }
0x99: {  	s4 =	simm.s32 $_scs_section_size  }
0x9a: {  	s5 =	simm.s32 $_size__tile_overlayer_lowered;
	s6 =	simm.s32 $_tile_overlayer_lowered  }
0x9b: {  	s22 =	simm.s32 $0x1BFF;
	s21 =	sshll.u32 s6, $0x1;
	s3 =	sadd.s32 s4, s19  }
0x9c: {  	s7 =	simm.s32 $0x0;
	s20 =	sshll.u32 s5, $0x1;
	s5 =	sadd.s32 s21, s3  }
0x9d: {  	[timem:s7], [sflag:s22] =	dma.local [hbm:s5], s20  }
0x9e: {  	_ =	swait.ge [sflag:s22], s20  }
0x9f: {  	s4 =	ssub.s32 $0x0, s20;
	[sflag:s22] =	ssyncset.done $0x0  }
0xa0: {  	[sflag:s22] =	ssyncadd.s32 s4;
	_ =	sdelay $0x1  }
0xa1: {  	s23 =	simm.s32 $0x1B8B  }
0xa2: {  	_ =	swait.ge [sflag:s23], $0x1  }
0xa3: {  	[sflag:s23] =	ssyncset.done $0x0  }
0xa4: {  	s25 =	simm.s32 $0x1B8E;
	s24 =	sld [smem:$0x3FFE];
	[sflag:s23] =	ssyncadd.s32 $0xFFFFFFFF  }
0xa5: {  	s26 =	simm.s32 $execute0_lowered;
	[smem:$0x3FD2] =	sst s25  }
0xa6: {  	s5 =	sshll.u32 s26, $0x1;
	_ =	strace $0x80000049;
	[dreg:$0x1] =	wrdreg $0xFFFFFFFF  }
0xa7: {  	s28 =	simm.s32 $_size_execute0_lowered;
	s3 =	sadd.s32 s3, s5;
	[dreg:$0x0] =	wrdreg $0x0  }
0xa8: {  	s5 =	sshll.u32 s28, $0x1;
	[dreg:$0x2] =	wrdreg s3  }
0xa9: {  	[dreg:$0x3] =	wrdreg s5  }
0xaa: {  	[dreg:$0x4] =	wrdreg $0xC0  }
0xab: {  	_ =	task [dreg:s7], $0x5FFFF  }
0xac: {  	[dreg:$0x1] =	wrdreg $0xFFFFFFFF  }
0xad: {  	[dreg:$0x0] =	wrdreg $0x60  }
0xae: {  	[dreg:$0x2] =	wrdreg s24  }
0xaf: {  	[dreg:$0x3] =	wrdreg s2  }
0xb0: {  	[dreg:$0x4] =	wrdreg $0x9  }
0xb1: {  	_ =	task.clear_ibuf [dreg:s7], $0x5FFFF;
	_ =	strace $0x90000049  }
0xb2: {  	s29 =	simm.s32 $0x9;
	_ =	strace $0x8000004B  }
0xb3: {  	_ =	swait.ge [sflag:s29], $0x1  }
0xb4: {  	[sflag:s29] =	ssyncadd.s32 $0xFFFFFFFF  }
0xb5: {  	_ =	strace $0x9000004B  }
0xb6: {  	_ =	sfence  }
0xb7: {  	s30 =	sld [smem:$0x0];
	_ =	sdelay $0x2  }
0xb8: {  	s31 =	sshll.u32 s1, $0xD;
	s1 =	sshrl.u32 s1, $0x2  }
0xb9: {  	s3 =	sand.u32 $0x4000, s31;
	s1 =	sadd.s32 s1, s30  }
0xba: {  	s0 =	sor.u32 s3, s0;
	s1 =	sshll.u32 s1, $0x11  }
0xbb: {  	s0 =	sor.u32 s1, s0  }
0xbc: {  	s0 =	sadd.s32 $0x8F2B, s0  }
0xbd: {  	[sflag:s0] =	ssyncadd.remote.s32 $0x1  }
0xbe: {  	_ =	sfence.sel $0xFFFF  }
0xbf: {  	[dreg:$0x0] =	wrdreg $0xFFFFFFFF;
	(pc) =	sbr.abs _section_cstart, $3  }
0xc0: {  	[dreg:$0x1] =	wrdreg $0xFFFFFFFF  }
0xc1: {  	_ =	task.clear_ibuf [dreg:s7], $0x2FFFF;
	_ =	strace $0x9FFFFFFF  }
0xc2: {  	(tm) =	ssettm $0x7FFFFFFF  }
0xc3: {  	_ =	shalt  }
tec
execute0_lowered:
.L_overlay_start_1:
0x0: {  	(tag) =	ssettag $0x1  }
0x1: {  	s3 =	rddreg [dreg:$0x0]  }
0x2: {  	s4 =	rddreg [dreg:$0x1]  }
0x3: {  	s0 =	rddreg [dreg:$0x2];
	s5 =	srdreg.scid  }
0x4: {  	s1 =	stileid.u32;
	s2 =	simm.s32 $0x0;
	s12 =	simm.s32 $0x1800  }
0x5: {  	s13 =	simm.s32 $0x80;
	s14 =	simm.s32 $0x400;
	s15 =	simm.s32 $0x1F80  }
0x6: {  	s16 =	simm.s32 $0x2700;
	s17 =	simm.s32 $0x2E80;
	s18 =	simm.s32 $0x0  }
0x7: {  	s5 =	sand.u32 $0x1, s5;
	s6 =	sshll.u32 s1, $0x1;
	[smem:$0x7FF] =	sst s2  }
0x8: {  	s8 =	sshrl.u32 s1, $0x2;
	s11 =	sadd.s32 $0xA00, s3;
	s6 =	sor.u32 s5, s6  }
0x9: {  	_ =	strace $0x8000004A;
	s5 =	ssub.s32 $0x2, s5;
	s8 =	smul.u32 $0x3C00, s8  }
0xa: {  	s7 =	sshll.u32 s6, $0xF;
	s9 =	sshll.u32 s6, $0x7;
	s10 =	sshrl.u32 s5, $0x1  }
0xb: {  	s28 =	sshll.u32 s6, $0x8;
	s7 =	sadd.s32 s7, s3;
	s9 =	sand.u32 $0x380, s9  }
0xc: {  	s10 =	ssub.s32 s5, s10;
	s4 =	sadd.s32 s4, s28;
	s8 =	sor.u32 s8, s9  }
0xd: {  	s3 =	sadd.s32 $0x800A00, s7;
	s9 =	smax.u32 s10, $0x1;
	s10 =	simm.s32 $0x1000  }
0xe: {  	v0 =	vlaneseq.u32;
	s29 =	sshrl.u32 s8, $0x3;
	s30 =	sadd.s32 $0xF000, s8;
	s31 =	sadd.s32 $0x1E000, s8  }
0xf: {  	v1 =	vmul.u32 $0x1E01, v0;
	s8 =	sadd.s32 $0x2D000, s8;
	s5 =	sadd.s32 s11, s29;
	s6 =	sshrl.u32 s30, $0x3  }
0x10: {  	v2 =	vimm.f32 $0.0e+00;
	v3 =	vimm.f32 $1.000000000e+00;
	v4 =	vimm.s32 $0x0;
	s7 =	sshrl.u32 s31, $0x3;
	s8 =	sshrl.u32 s8, $0x3;
	s6 =	sadd.s32 s11, s6  }
0x11: {  	v5 =	vadd.s32 $0x780, v1;
	v6 =	vadd.s32 $0xF00, v1;
	v7 =	vadd.s32 $0x1680, v1;
	s7 =	sadd.s32 s11, s7;
	s8 =	sadd.s32 s11, s8;
	s11 =	simm.s32 $0x3  }
.LBB2_1:
0x12: {  	[tilespmem:s2], [sflag:$0x1] =	stream.linear.gather [hbm4b:s3+s2], $0x800, $0x38;
	[tilespmem:$0x1F880] =	vst v63  }
0x13: {  	_ = 	snop  }
0x14: {  	[tilespmem:s10], [sflag:$0x3] =	stream.linear.gather [hbm4b:s4+s2], $0x800, $0x38;
	[tilespmem:$0x1F880] =	vst v63  }
0x15: {  	_ =	swait.ge [sflag:s11], $0x800  }
0x16: {  	[sflag:s11] =	ssyncset.done $0x0  }
0x17: {  	s19 =	simm.s32 $0x0;
	s20 =	simm.s32 $0x200;
	[sflag:s11] =	ssyncadd.s32 $0xFFFFF800  }
.LBB2_2:
0x18: {  	p0 =	sne.s32 s20, $0x77E00;
	[tilespmem:s19+$0x1870] =	vst v2  }
0x19: {  	[tilespmem:s19+$0x1800] =	vst v2  }
0x1a: {  	[tilespmem:s19+$0x1810] =	vst v2  }
.Ltmp0:
0x1b: {  	[tilespmem:s19+$0x1820] =	vst v2;
	(pc) =	sbr.rel @p0 .LBB2_2-.Ltmp0, $4  }
0x1c: {  	[tilespmem:s19+$0x1830] =	vst v2  }
0x1d: {  	[tilespmem:s19+$0x1840] =	vst v2  }
0x1e: {  	[tilespmem:s19+$0x1850] =	vst v2  }
0x1f: {  	[tilespmem:s19+$0x1860] =	vst v2;
	s19 =	sshra.s32 s20, $0x2;
	s20 =	sadd.s32 $0x200, s20  }
0x20: {  	[tilespmem:s19+$0x1870] =	vst v2  }
0x21: {  	[tilespmem:s19+$0x1800] =	vst v2  }
0x22: {  	[tilespmem:s19+$0x1810] =	vst v2  }
0x23: {  	[tilespmem:s19+$0x1820] =	vst v2  }
0x24: {  	[tilespmem:s19+$0x1830] =	vst v2  }
0x25: {  	[tilespmem:s19+$0x1840] =	vst v2  }
0x26: {  	[tilespmem:s19+$0x1850] =	vst v2  }
0x27: {  	[tilespmem:s19+$0x1860] =	vst v2  }
0x28: {  	s19 =	simm.s32 $0x0;
	p0 =	por $0x0, $0x0;
	s20 =	simm.s32 $0x0;
	[tilespmem:$0x1F800] =	vst v2  }
.LBB2_4:
0x29: {  	s21 =	smov.u32 s20;
	s22 =	sand.u32 $0x1, s20  }
0x2a: {  	p1 =	seq.s32 s20, $0x7F;
	s20 =	sadd.s32 $0x1, s20;
	s29 =	sand.u32 $0x780, s19  }
0x2b: {  	s23 =	sadd.s32 $0x1, s22;
	s24 =	sxor.u32 @!p1 $0x1, s22;
	s25 =	sshll.u32 @!p1 s20, $0x8  }
0x2c: {  	s26 =	simm.s32 @!p1 $0x0;
	s21 =	sshll.u32 s21, $0x4;
	_ =	swait.ge [sflag:s23], $0x800  }
0x2d: {  	s22 =	sshll.u32 s22, $0xB;
	s25 =	sadd.s32 @!p1 s25, s3;
	[sflag:s23] =	ssyncset.done $0x0  }
0x2e: {  	[sflag:s23] =	ssyncadd.s32 $0xFFFFF800;
	s23 =	sshll.u32 @!p1 s24, $0xB;
	s24 =	sadd.s32 @!p1 $0x1, s24  }
0x2f: {  	[tilespmem:s23], [sflag:s24] =	stream.linear.gather @!p1 [hbm4b:s25+s26], $0x800, $0x38;
	[tilespmem:$0x1F880] =	vst v63  }
0x30: {  	s30 =	sand.u32 $0x40, s19;
	s21 =	sand.u32 $0x3FFFFFF0, s21;
	s23 =	sadd.s32 s29, s22  }
0x31: {  	s25 =	simm.s32 $0x1;
	v8 =	vld [tilespmem:s21+$0x1000];
	s23 =	sadd.s32 s30, s23  }
0x32: {  	s25 =	simm.s32 @!p0 $0x0;
	v10 =	vld [tilespmem:s23+$0x30]  }
0x33: {  	v9 =	vimm.f32 $-3.000000010e+38;
	s31 =	sshll.u32 s25, $0xB;
	v11 =	vld [tilespmem:s23+$0x0]  }
0x34: {  	v12 =	vimm.f32 $-3.000000010e+38;
	v13 =	vimm.f32 $-3.000000010e+38;
	v15 =	vimm.f32 $-3.000000010e+38;
	s24 =	simm.s32 $0x40;
	v14 =	vld [tilespmem:s23+$0x10];
	s21 =	sor.u32 $0x40, s31  }
.LBB2_5:
0x35: {  	s25 =	sand.u32 $0x780, s24  }
0x36: {  	p1 =	sne.s32 s24, $0x7C0;
	v16 =	vld [tilespmem:s23+$0x20];
	s23 =	smov.u32 s24;
	s24 =	sadd.s32 $0x40, s24  }
.Ltmp1:
0x37: {  	s23 =	sand.u32 $0x40, s23;
	s25 =	sadd.s32 s25, s22;
	(pc) =	sbr.rel @p1 .LBB2_5-.Ltmp1, $4  }
0x38: {  	s23 =	sadd.s32 s23, s25;
	v9 =	vmax.f32 v9, v10  }
0x39: {  	v10 =	vld [tilespmem:s23+$0x30];
	v12 =	vmax.f32 v12, v11  }
0x3a: {  	v11 =	vld [tilespmem:s23+$0x0];
	v13 =	vmax.f32 v13, v14  }
0x3b: {  	v14 =	vld [tilespmem:s23+$0x10];
	v15 =	vmax.f32 v15, v16  }
0x3c: {  	s24 =	simm.s32 $0x0  }
0x3d: {  	v16 =	vld [tilespmem:s23+$0x20];
	s26 =	sand.u32 $0x780, s24  }
0x3e: {  	s24 =	sand.u32 $0x40, s24;
	s23 =	sadd.s32 s26, s22  }
0x3f: {  	s23 =	sadd.s32 s24, s23  }
0x40: {  	v17 =	vld [tilespmem:s23+$0x30]  }
0x41: {  	s28 =	simm.s32 $0x40;
	v9 =	vmax.f32 v9, v10;
	v10 =	vld [tilespmem:s23+$0x0]  }
0x42: {  	s25 =	sand.u32 $0x780, s28;
	v11 =	vmax.f32 v12, v11;
	v12 =	vmax.f32 v13, v14;
	v13 =	vmax.f32 v15, v16  }
0x43: {  	s25 =	sadd.s32 s25, s22;
	s24 =	sand.u32 $0x40, s28;
	v14 =	vld [tilespmem:s23+$0x10];
	v11 =	vmax.f32 v11, v12;
	v9 =	vmax.f32 v13, v9  }
0x44: {  	s29 =	sadd.s32 s24, s25;
	v9 =	vmax.f32 v11, v9;
	v11 =	vld [tilespmem:s23+$0x20]  }
0x45: {  	v15 =	vld [tilespmem:s29+$0x0];
	v12 =	vsub.f32 v17, v9  }
0x46: {  	v13 =	vld [tilespmem:s29+$0x30];
	v10 =	vsub.f32 v10, v9  }
0x47: {  	v16 =	vld [tilespmem:s29+$0x10];
	v12 =	vmul.f32 $1.442695020e+00, v12  }
0x48: {  	s30 =	simm.s32 $0x80;
	v14 =	vsub.f32 v14, v9;
	v17 =	vld [tilespmem:s29+$0x20];
	v10 =	vmul.f32 $1.442695020e+00, v10  }
0x49: {  	s31 =	sand.u32 $0x780, s30;
	v11 =	vsub.f32 v11, v9;
	(erf) = vpow2.f32 v12  }
0x4a: {  	s26 =	sadd.s32 s31, s22;
	s24 =	sand.u32 $0x40, s30;
	v14 =	vmul.f32 $1.442695020e+00, v14;
	(erf) = vpow2.f32 v10  }
0x4b: {  	s23 =	sadd.s32 s24, s26;
	v10 =	vsub.f32 v13, v9;
	v11 =	vmul.f32 $1.442695020e+00, v11;
	v13 =	vsub.f32 v15, v9  }
0x4c: {  	v12 =	vld [tilespmem:s23+$0x30];
	v15 =	vsub.f32 v16, v9;
	(erf) = vpow2.f32 v14  }
0x4d: {  	v16 =	vld [tilespmem:s23+$0x10];
	(erf) = vpow2.f32 v11;
	v11 =	vmul.f32 $1.442695020e+00, v13;
	v13 =	vsub.f32 v17, v9  }
0x4e: {  	v14 =	vld [tilespmem:s23+$0x0];
	v10 =	vmul.f32 $1.442695020e+00, v10  }
0x4f: {  	s28 =	simm.s32 $0xC0;
	v17 =	vld [tilespmem:s23+$0x20];
	v13 =	vmul.f32 $1.442695020e+00, v13  }
0x50: {  	s29 =	sand.u32 $0x780, s28;
	v15 =	vmul.f32 $1.442695020e+00, v15;
	(erf) = vpow2.f32 v10  }
0x51: {  	s30 =	sand.u32 $0x40, s28;
	s31 =	sadd.s32 s29, s22;
	(erf) = vpow2.f32 v11  }
0x52: {  	s23 =	sadd.s32 s30, s31;
	v10 =	vimm.f32 $0.0e+00;
	v11 =	vsub.f32 v12, v9;
	(erf) = vpow2.f32 v15  }
0x53: {  	v19 =	vsub.f32 v16, v9;
	v16 =	vld [tilespmem:s23+$0x10];
	v12 =	vsub.f32 v14, v9;
	(erf) = vpow2.f32 v13;
	v13 =	vpop (erf)  }
0x54: {  	v14 =	vld [tilespmem:s23+$0x30];
	v20 =	vmul.f32 $1.442695020e+00, v11;
	v21 =	vsub.f32 v17, v9;
	v11 =	vadd.f32 v13, v10;
	v13 =	vpop (erf)  }
0x55: {  	s24 =	simm.s32 $0x100;
	v15 =	vld [tilespmem:s23+$0x0];
	v18 =	vmul.f32 $1.442695020e+00, v12;
	v12 =	vadd.f32 v13, v10;
	v17 =	vpop (erf);
	v13 =	vimm.f32 $0.0e+00  }
.LBB2_7:
0x56: {  	s25 =	sand.u32 $0x780, s24  }
0x57: {  	p1 =	sne.s32 s24, $0x7C0;
	v22 =	vld [tilespmem:s23+$0x20];
	v19 =	vmul.f32 $1.442695020e+00, v19;
	(erf) = vpow2.f32 v20;
	v10 =	vadd.f32 v17, v10;
	v17 =	vpop (erf);
	s23 =	smov.u32 s24;
	s24 =	sadd.s32 $0x40, s24  }
.Ltmp2:
0x58: {  	s23 =	sand.u32 $0x40, s23;
	s25 =	sadd.s32 s25, s22;
	v20 =	vmul.f32 $1.442695020e+00, v21;
	(erf) = vpow2.f32 v18;
	v13 =	vadd.f32 v17, v13;
	(pc) =	sbr.rel @p1 .LBB2_7-.Ltmp2, $4  }
0x59: {  	s23 =	sadd.s32 s23, s25;
	v23 =	vsub.f32 v14, v9;
	(erf) = vpow2.f32 v19  }
0x5a: {  	v14 =	vld [tilespmem:s23+$0x30];
	v18 =	vsub.f32 v15, v9;
	(erf) = vpow2.f32 v20;
	v21 =	vpop (erf)  }
0x5b: {  	v15 =	vld [tilespmem:s23+$0x0];
	v19 =	vsub.f32 v16, v9;
	v20 =	vmul.f32 $1.442695020e+00, v23;
	v11 =	vadd.f32 v21, v11;
	v17 =	vpop (erf)  }
0x5c: {  	v16 =	vld [tilespmem:s23+$0x10];
	v18 =	vmul.f32 $1.442695020e+00, v18;
	v21 =	vsub.f32 v22, v9;
	v12 =	vadd.f32 v17, v12;
	v17 =	vpop (erf)  }
0x5d: {  	v22 =	vld [tilespmem:s23+$0x20];
	_ =	sdelay $0x1  }
0x5e: {  	v19 =	vmul.f32 $1.442695020e+00, v19;
	(erf) = vpow2.f32 v20;
	v14 =	vsub.f32 v14, v9  }
0x5f: {  	v42 =	vmul.f32 $1.442695020e+00, v21;
	(erf) = vpow2.f32 v18;
	v15 =	vsub.f32 v15, v9  }
0x60: {  	(erf) = vpow2.f32 v19;
	v16 =	vsub.f32 v16, v9;
	v14 =	vmul.f32 $1.442695020e+00, v14  }
0x61: {  	(erf) = vpow2.f32 v42;
	v15 =	vmul.f32 $1.442695020e+00, v15;
	v43 =	vsub.f32 v22, v9  }
0x62: {  	v44 =	vpop (erf);
	v16 =	vmul.f32 $1.442695020e+00, v16;
	(erf) = vpow2.f32 v14  }
0x63: {  	v45 =	vpop (erf);
	v18 =	vmul.f32 $1.442695020e+00, v43;
	(erf) = vpow2.f32 v15  }
0x64: {  	v46 =	vpop (erf);
	(erf) = vpow2.f32 v16  }
0x65: {  	v47 =	vpop (erf);
	(erf) = vpow2.f32 v18  }
0x66: {  	v48 =	vpop (erf)  }
0x67: {  	v49 =	vpop (erf)  }
0x68: {  	v50 =	vpop (erf)  }
0x69: {  	v10 =	vadd.f32 v17, v10;
	v13 =	vadd.f32 v44, v13;
	v51 =	vpop (erf)  }
0x6a: {  	v11 =	vadd.f32 v45, v11;
	v12 =	vadd.f32 v46, v12;
	v52 =	vpop (erf)  }
0x6b: {  	v10 =	vadd.f32 v47, v10;
	v13 =	vadd.f32 v48, v13;
	v53 =	vpop (erf)  }
0x6c: {  	v11 =	vadd.f32 v49, v11;
	v12 =	vadd.f32 v50, v12;
	v54 =	vpop (erf)  }
0x6d: {  	v10 =	vadd.f32 v51, v10;
	v13 =	vadd.f32 v52, v13;
	v55 =	vpop (erf)  }
0x6e: {  	v11 =	vadd.f32 v53, v11;
	v12 =	vadd.f32 v54, v12;
	v56 =	vpop (erf)  }
0x6f: {  	v10 =	vadd.f32 v55, v10;
	v13 =	vadd.f32 v56, v13;
	_ =	sdelay $0x1  }
0x70: {  	v10 =	vadd.f32 v10, v12;
	v11 =	vadd.f32 v11, v13;
	_ =	sdelay $0x1  }
0x71: {  	v10 =	vadd.f32 v11, v10;
	_ =	sdelay $0x1  }
0x72: {  	v11 =	vand.u32 $0x7FFFFF, v10  }
0x73: {  	v11 =	vor.u32 $0x3F800000, v11  }
0x74: {  	v57 =	vmul.f32 $5.500612260e-01, v11  }
0x75: {  	v58 =	vmul.f32 v11, v11  }
0x76: {  	v59 =	vmul.f32 $5.847939490e+00, v11;
	v60 =	vmul.f32 $5.347217900e-03, v11;
	v12 =	vadd.f32 $-2.212369440e+00, v57  }
0x77: {  	v62 =	vmul.f32 $1.375373080e+01, v11;
	v61 =	vmul.f32 v58, v58  }
0x78: {  	v14 =	vadd.f32 $-1.066842840e+01, v59;
	v15 =	vadd.f32 $-8.095151930e-02, v60;
	v12 =	vmul.f32 v12, v58  }
0x79: {  	v11 =	vmul.f32 $9.124581330e+00, v11  }
0x7a: {  	v17 =	vadd.f32 $-1.274289320e+01, v62;
	v63 =	vmul.f32 v61, v15;
	v12 =	vadd.f32 v12, v14  }
0x7b: {  	(erf) = vrcp.f32 v10  }
0x7c: {  	v11 =	vadd.f32 $-3.577016350e+00, v11;
	v13 =	vmul.f32 v17, v58;
	v12 =	vadd.f32 v12, v63;
	_ =	sdelay $0x1  }
0x7d: {  	v10 =	vshra.s32 v10, $0x17;
	v11 =	vadd.f32 v13, v11;
	v12 =	vmul.f32 v12, v61  }
0x7e: {  	v10 =	vadd.s32 $0xFFFFFF81, v10  }
0x7f: {  	v10 =	vcvt.s32.f32 v10;
	v11 =	vadd.f32 v12, v11;
	_ =	sdelay $0x1  }
0x80: {  	v10 =	vadd.f32 v10, v11;
	_ =	sdelay $0x1  }
0x81: {  	s22 =	simm.s32 $0x69;
	s23 =	simm.s32 $0x0;
	v10 =	vmul.f32 $6.931471820e-01, v10;
	v11 =	vpop (erf)  }
.LBB2_9:
0x82: {  	v12 =	vld [tilespmem:s21+$0xFFFFFFC0]  }
0x83: {  	v13 =	vld [tilespmem:s21+$0xFFFFFFD0]  }
0x84: {  	v14 =	vld [tilespmem:s21+$0xFFFFFFE0]  }
0x85: {  	v15 =	vld [tilespmem:s21+$0xFFFFFFF0]  }
0x86: {  	v16 =	vld [tilespmem:s21+$0x0]  }
0x87: {  	v17 =	vld [tilespmem:s21+$0x10];
	v19 =	vsub.f32 v12, v9  }
0x88: {  	v20 =	vsub.f32 v13, v9  }
0x89: {  	v43 =	vld [tilespmem:s21+$0x20];
	v27 =	vsub.f32 v14, v9;
	v44 =	vmul.f32 $1.442695020e+00, v19  }
0x8a: {  	v18 =	vld [tilespmem:s21+$0x30];
	v28 =	vsub.f32 v15, v9;
	v45 =	vmul.f32 $1.442695020e+00, v20  }
0x8b: {  	v31 =	vsub.f32 v16, v9;
	v46 =	vmul.f32 $1.442695020e+00, v27;
	(erf) = vpow2.f32 v44  }
0x8c: {  	v30 =	vsub.f32 v17, v9;
	v47 =	vmul.f32 $1.442695020e+00, v28;
	(erf) = vpow2.f32 v45  }
0x8d: {  	v48 =	vmul.f32 $1.442695020e+00, v31;
	(erf) = vpow2.f32 v46  }
0x8e: {  	v13 =	vsub.f32 v43, v9;
	v49 =	vmul.f32 $1.442695020e+00, v30;
	(erf) = vpow2.f32 v47  }
0x8f: {  	v12 =	vsub.f32 v18, v9;
	(erf) = vpow2.f32 v48  }
0x90: {  	v50 =	vmul.f32 $1.442695020e+00, v13;
	(erf) = vpow2.f32 v49  }
0x91: {  	v51 =	vmul.f32 $1.442695020e+00, v12  }
0x92: {  	(erf) = vpow2.f32 v50  }
0x93: {  	v57 =	vmov s23;
	(erf) = vpow2.f32 v51  }
0x94: {  	v14 =	vsub.s32 v8, v57;
	v52 =	vpop (erf)  }
0x95: {  	vm9 =	veq.s32 v8, s23;
	vm12 =	veq.s32 v14, $0x1;
	v53 =	vpop (erf);
	v29 =	vmul.f32 v52, v11  }
0x96: {  	vm14 =	veq.s32 v14, $0x2;
	v22 =	vsub.f32 v19, v10;
	v54 =	vpop (erf);
	v26 =	vmul.f32 v53, v11  }
0x97: {  	v19 =	vsub.f32 v28, v10;
	v55 =	vpop (erf);
	v25 =	vmul.f32 v54, v11;
	v58 =	vsub.f32 $1.000000000e+00, v29  }
0x98: {  	v17 =	vsub.f32 v31, v10;
	v56 =	vpop (erf);
	v24 =	vmul.f32 v55, v11;
	v33 =	vsub.f32 $1.000000000e+00, v26  }
0x99: {  	v21 =	vpop (erf);
	v23 =	vmul.f32 v56, v11;
	v32 =	vmax.f32 v58, $1.199999980e-38;
	v36 =	vsub.f32 $1.000000000e+00, v25  }
0x9a: {  	v18 =	vmul.f32 v21, v11;
	v61 =	vand.u32 $0x7FFFFF, v32;
	v21 =	vsub.f32 v20, v10  }
0x9b: {  	v59 =	vpop (erf);
	v20 =	vsub.f32 v27, v10;
	v63 =	vmax.f32 v33, $1.199999980e-38;
	v39 =	vsub.f32 $1.000000000e+00, v24  }
0x9c: {  	v49 =	vshra.s32 v32, $0x17;
	v16 =	vmul.f32 v59, v11;
	v60 =	vpop (erf);
	v34 =	vor.u32 $0x3F800000, v61  }
0x9d: {  	v36 =	vmax.f32 v36, $1.199999980e-38;
	v47 =	vsub.f32 $1.000000000e+00, v23;
	v15 =	vmul.f32 v60, v11  }
0x9e: {  	v50 =	vadd.s32 $0xFFFFFF81, v49;
	v62 =	vmul.f32 $5.500612260e-01, v34;
	v44 =	vmul.f32 v34, v34  }
0x9f: {  	v51 =	vand.u32 $0x7FFFFF, v63;
	v45 =	vmul.f32 $5.847939490e+00, v34;
	v35 =	vmul.f32 $5.347217900e-03, v34  }
0xa0: {  	v28 =	vshra.s32 v63, $0x17;
	v38 =	vmul.f32 $1.375373080e+01, v34;
	v34 =	vmul.f32 $9.124581330e+00, v34  }
0xa1: {  	v40 =	vsub.f32 $1.000000000e+00, v18;
	v52 =	vcvt.s32.f32 v50;
	v53 =	vor.u32 $0x3F800000, v51  }
0xa2: {  	v48 =	vsub.f32 $1.000000000e+00, v16;
	v54 =	vmul.f32 v53, v53;
	v55 =	vmul.f32 $9.124581330e+00, v53  }
0xa3: {  	v56 =	vmul.f32 $5.500612260e-01, v53;
	v42 =	vmul.f32 $5.347217900e-03, v53;
	v27 =	vadd.f32 $-2.212369440e+00, v62  }
0xa4: {  	v43 =	vmul.f32 $1.375373080e+01, v53;
	v33 =	vadd.f32 $-1.066842840e+01, v45;
	v35 =	vadd.f32 $-8.095151930e-02, v35  }
0xa5: {  	v37 =	vmul.f32 v44, v44;
	v38 =	vadd.f32 $-1.274289320e+01, v38;
	v34 =	vadd.f32 $-3.577016350e+00, v34  }
0xa6: {  	v62 =	vadd.s32 $0xFFFFFF81, v28;
	v32 =	vmax.f32 v48, $1.199999980e-38;
	v41 =	vmul.f32 v54, v54  }
0xa7: {  	v42 =	vadd.f32 $-8.095151930e-02, v42;
	v43 =	vadd.f32 $-1.274289320e+01, v43;
	v50 =	vcvt.s32.f32 v62  }
0xa8: {  	v27 =	vmul.f32 v27, v44;
	v46 =	vmul.f32 v37, v35;
	v35 =	vmax.f32 v39, $1.199999980e-38  }
0xa9: {  	v31 =	vmul.f32 v38, v44;
	v38 =	vmax.f32 v40, $1.199999980e-38;
	v44 =	vand.u32 $0x7FFFFF, v36  }
0xaa: {  	v40 =	vadd.f32 $-3.577016350e+00, v55;
	v36 =	vshra.s32 v36, $0x17;
	v44 =	vor.u32 $0x3F800000, v44  }
0xab: {  	v42 =	vmul.f32 v41, v42;
	v39 =	vmul.f32 v43, v54;
	v27 =	vadd.f32 v27, v33  }
0xac: {  	v31 =	vadd.f32 v31, v34;
	v34 =	vmul.f32 $5.847939490e+00, v53;
	v45 =	vmul.f32 $5.500612260e-01, v44  }
0xad: {  	v33 =	vmax.f32 v47, $1.199999980e-38;
	v47 =	vmul.f32 $5.847939490e+00, v44;
	v48 =	vmul.f32 $5.347217900e-03, v44  }
0xae: {  	v49 =	vmul.f32 $1.375373080e+01, v44;
	v58 =	vmul.f32 $9.124581330e+00, v44;
	v53 =	vand.u32 $0x7FFFFF, v35  }
0xaf: {  	v35 =	vshra.s32 v35, $0x17;
	v39 =	vadd.f32 v39, v40;
	v27 =	vadd.f32 v27, v46  }
0xb0: {  	v35 =	vadd.s32 $0xFFFFFF81, v35;
	v34 =	vadd.f32 $-1.066842840e+01, v34;
	v45 =	vadd.f32 $-2.212369440e+00, v45  }
0xb1: {  	v46 =	vmul.f32 v44, v44;
	v47 =	vadd.f32 $-1.066842840e+01, v47;
	v48 =	vadd.f32 $-8.095151930e-02, v48  }
0xb2: {  	v59 =	vadd.f32 $-1.274289320e+01, v49;
	v63 =	vadd.f32 $-3.577016350e+00, v58;
	v35 =	vcvt.s32.f32 v35  }
0xb3: {  	v27 =	vmul.f32 v27, v37;
	v37 =	vsub.f32 $1.000000000e+00, v15;
	v57 =	vmul.f32 v46, v46  }
0xb4: {  	v45 =	vmul.f32 v45, v46;
	v46 =	vmul.f32 v59, v46;
	v59 =	vand.u32 $0x7FFFFF, v33  }
0xb5: {  	v33 =	vshra.s32 v33, $0x17;
	v44 =	vor.u32 $0x3F800000, v59;
	v27 =	vadd.f32 v27, v31  }
0xb6: {  	v33 =	vadd.s32 $0xFFFFFF81, v33;
	v31 =	vadd.f32 $-2.212369440e+00, v56;
	v60 =	vadd.f32 v45, v47  }
0xb7: {  	v61 =	vmul.f32 v57, v48;
	v51 =	vadd.f32 v46, v63;
	v62 =	vmul.f32 $5.847939490e+00, v44  }
0xb8: {  	v63 =	vmul.f32 $5.347217900e-03, v44;
	v33 =	vcvt.s32.f32 v33;
	v27 =	vadd.f32 v52, v27  }
0xb9: {  	v31 =	vmul.f32 v31, v54;
	v48 =	vadd.f32 v60, v61;
	v52 =	vadd.s32 $0xFFFFFF81, v36  }
0xba: {  	v36 =	vor.u32 $0x3F800000, v53;
	v60 =	vmul.f32 $5.500612260e-01, v44;
	v61 =	vmul.f32 v44, v44  }
0xbb: {  	v53 =	vmul.f32 $1.375373080e+01, v44;
	v47 =	vadd.f32 $-1.066842840e+01, v62;
	v54 =	vmul.f32 v36, v36  }
0xbc: {  	v62 =	vand.u32 $0x7FFFFF, v38;
	v55 =	vmul.f32 $9.124581330e+00, v36;
	v56 =	vmul.f32 $5.500612260e-01, v36  }
0xbd: {  	v58 =	vmul.f32 $1.375373080e+01, v36;
	v31 =	vadd.f32 v31, v34;
	v28 =	vmul.f32 $6.931471820e-01, v27  }
0xbe: {  	v34 =	vmul.f32 v48, v57;
	v45 =	vadd.f32 $-2.212369440e+00, v60;
	v48 =	vadd.f32 $-8.095151930e-02, v63  }
0xbf: {  	v57 =	vmul.f32 $5.347217900e-03, v36;
	v40 =	vadd.f32 $-3.577016350e+00, v55;
	v31 =	vadd.f32 v31, v42  }
0xc0: {  	v36 =	vmul.f32 $5.847939490e+00, v36;
	v43 =	vadd.f32 $-1.274289320e+01, v58;
	v55 =	vadd.f32 $-1.274289320e+01, v53  }
0xc1: {  	v34 =	vadd.f32 v34, v51;
	v45 =	vmul.f32 v45, v61;
	v31 =	vmul.f32 v31, v41  }
0xc2: {  	v42 =	vadd.f32 $-8.095151930e-02, v57;
	v59 =	vmul.f32 v55, v61;
	v41 =	vmul.f32 v54, v54  }
0xc3: {  	v49 =	vadd.f32 v31, v39;
	v31 =	vcvt.s32.f32 v52;
	v52 =	vmul.f32 v61, v61  }
0xc4: {  	v39 =	vmax.f32 v37, $1.199999980e-38;
	v42 =	vmul.f32 v41, v42;
	v37 =	vmul.f32 v43, v54  }
0xc5: {  	v27 =	vadd.f32 v50, v49;
	v31 =	vadd.f32 v31, v34;
	v57 =	vmul.f32 v52, v48  }
0xc6: {  	v37 =	vadd.f32 v37, v40;
	v40 =	vor.u32 $0x3F800000, v62;
	v49 =	vmul.f32 $1.500000000e+01, v29  }
0xc7: {  	v34 =	vadd.f32 $-2.212369440e+00, v56;
	v63 =	vmul.f32 v40, v40;
	v50 =	vmul.f32 $5.500612260e-01, v40  }
0xc8: {  	v56 =	vadd.f32 v45, v47;
	v51 =	vmul.f32 $1.375373080e+01, v40;
	v53 =	vmul.f32 $9.124581330e+00, v40  }
0xc9: {  	v36 =	vadd.f32 $-1.066842840e+01, v36;
	v27 =	vmul.f32 $6.931471820e-01, v27;
	v34 =	vmul.f32 v34, v54  }
0xca: {  	v54 =	vmul.f32 $9.124581330e+00, v44;
	v60 =	vadd.f32 v56, v57;
	v31 =	vmul.f32 $6.931471820e-01, v31  }
0xcb: {  	v43 =	vadd.f32 $-3.577016350e+00, v53;
	v53 =	vtrunc.f32 v49;
	v34 =	vadd.f32 v34, v36  }
0xcc: {  	v58 =	vadd.f32 $-3.577016350e+00, v54;
	v36 =	vmul.f32 v60, v52;
	v52 =	vand.u32 $0x7FFFFF, v32  }
0xcd: {  	v54 =	vmul.f32 $5.847939490e+00, v40;
	v40 =	vmul.f32 $5.347217900e-03, v40;
	v32 =	vshra.s32 v32, $0x17  }
0xce: {  	v32 =	vadd.s32 $0xFFFFFF81, v32;
	v34 =	vadd.f32 v34, v42;
	v61 =	vadd.f32 v59, v58  }
0xcf: {  	v42 =	vor.u32 $0x3F800000, v52;
	v44 =	vadd.f32 $-1.066842840e+01, v54;
	v32 =	vcvt.s32.f32 v32  }
0xd0: {  	v40 =	vadd.f32 $-8.095151930e-02, v40;
	v55 =	vmul.f32 $5.500612260e-01, v42;
	v56 =	vmul.f32 v42, v42  }
0xd1: {  	v52 =	vand.u32 $0x7FFFFF, v39;
	v57 =	vmul.f32 $5.847939490e+00, v42;
	v58 =	vmul.f32 $5.347217900e-03, v42  }
0xd2: {  	v54 =	vor.u32 $0x3F800000, v52;
	v34 =	vmul.f32 v34, v41;
	v36 =	vadd.f32 v36, v61  }
0xd3: {  	v41 =	vadd.f32 $-1.274289320e+01, v51;
	v45 =	vadd.f32 $-2.212369440e+00, v55;
	v59 =	vmul.f32 v56, v56  }
0xd4: {  	v47 =	vadd.f32 $-1.066842840e+01, v57;
	v48 =	vadd.f32 $-8.095151930e-02, v58;
	v55 =	vmul.f32 $1.375373080e+01, v54  }
0xd5: {  	v57 =	vmul.f32 $9.124581330e+00, v54;
	v34 =	vadd.f32 v34, v37;
	v33 =	vadd.f32 v33, v36  }
0xd6: {  	v36 =	vshra.s32 v38, $0x17;
	v38 =	vmul.f32 v63, v63;
	v37 =	vmul.f32 v41, v63  }
0xd7: {  	v45 =	vmul.f32 v45, v56;
	v34 =	vadd.f32 v35, v34;
	v35 =	vadd.f32 $-2.212369440e+00, v50  }
0xd8: {  	v39 =	vshra.s32 v39, $0x17;
	v61 =	vmul.f32 v59, v48;
	v50 =	vmul.f32 $1.375373080e+01, v42  }
0xd9: {  	v36 =	vadd.s32 $0xFFFFFF81, v36;
	v58 =	vadd.f32 $-1.274289320e+01, v55;
	v35 =	vmul.f32 v35, v63  }
0xda: {  	v42 =	vmul.f32 $9.124581330e+00, v42;
	v45 =	vadd.f32 v45, v47;
	v60 =	vadd.f32 $-1.274289320e+01, v50  }
0xdb: {  	v41 =	vadd.f32 $-3.577016350e+00, v57;
	v40 =	vmul.f32 v38, v40;
	v35 =	vadd.f32 v35, v44  }
0xdc: {  	v62 =	vadd.f32 $-3.577016350e+00, v42;
	v45 =	vadd.f32 v45, v61;
	v63 =	vmul.f32 v60, v56  }
0xdd: {  	v37 =	vadd.f32 v37, v43;
	v61 =	vmul.f32 $5.500612260e-01, v54;
	v35 =	vadd.f32 v35, v40  }
0xde: {  	v56 =	vmul.f32 v54, v54;
	v47 =	vmul.f32 v45, v59;
	v46 =	vadd.f32 v63, v62  }
0xdf: {  	v44 =	vadd.f32 $-2.212369440e+00, v61;
	v62 =	vmul.f32 $5.847939490e+00, v54;
	v35 =	vmul.f32 v35, v38  }
0xe0: {  	v36 =	vcvt.s32.f32 v36;
	v42 =	vmul.f32 v58, v56;
	v38 =	vadd.f32 v47, v46  }
0xe1: {  	v40 =	vmul.f32 v44, v56;
	v45 =	vadd.f32 $-1.066842840e+01, v62;
	v48 =	vadd.f32 v35, v37  }
0xe2: {  	v37 =	vmul.f32 $6.931471820e-01, v34;
	v35 =	vmul.f32 $6.931471820e-01, v33;
	v51 =	vadd.f32 v32, v38  }
0xe3: {  	v32 =	vsub.f32 v30, v10;
	v50 =	vadd.f32 v36, v48;
	v48 =	vmul.f32 $1.500000000e+01, v26  }
0xe4: {  	v34 =	vadd.s32 $0xFFFFFF81, v39;
	v38 =	vmul.f32 $5.347217900e-03, v54;
	v36 =	vcvt.f32.s32 v53  }
0xe5: {  	v40 =	vadd.f32 v40, v45;
	v30 =	vmul.f32 $6.931471820e-01, v51;
	v47 =	vtrunc.f32 v48  }
0xe6: {  	v38 =	vadd.f32 $-8.095151930e-02, v38;
	vm0 =	vlt.s32 v36, $0xF;
	v49 =	vcvt.f32.s32 v47  }
0xe7: {  	v59 =	vnsel vm0, $0xF, v36;
	v36 =	vmul.f32 v56, v56;
	v56 =	vmul.f32 $1.500000000e+01, v25  }
0xe8: {  	v33 =	vmul.f32 $6.931471820e-01, v50;
	v60 =	vcvt.s32.f32 v59;
	vm6 =	vlt.s32 v49, $0xF  }
0xe9: {  	v53 =	vmul.f32 v36, v38;
	v38 =	vadd.f32 v42, v41;
	v42 =	vtrunc.f32 v56  }
0xea: {  	v63 =	vadd.f32 $1.000000000e+00, v60;
	v39 =	vmul.f32 $6.666667010e-02, v60;
	v52 =	vnsel vm6, $0xF, v49  }
0xeb: {  	vm0 =	vgt.f32 v29, $0.0e+00;
	v42 =	vcvt.f32.s32 v42;
	v54 =	vcvt.s32.f32 v52  }
0xec: {  	v46 =	vmul.f32 $6.666667010e-02, v63;
	vm4 =	vle.f32 v29, v39;
	v39 =	vadd.f32 v40, v53  }
0xed: {  	vm2 =	vlt.s32 v42, $0xF;
	v50 =	vsel vm4, $0xFFFFFFFF, v4;
	v58 =	vadd.f32 $1.000000000e+00, v54  }
0xee: {  	v42 =	vnsel vm2, $0xF, v42;
	vm5 =	vgt.f32 v29, v46;
	v43 =	vadd.s32 v50, v59  }
0xef: {  	v59 =	vmul.f32 $6.666667010e-02, v54;
	v60 =	vcvt.s32.f32 v42;
	v51 =	vsel vm5, $0x1, v4  }
0xf0: {  	vm2 =	vmand vm9, vm0;
	v41 =	vmul.f32 $6.666667010e-02, v58;
	v43 =	vadd.s32 v51, v43  }
0xf1: {  	vm1 =	vle.f32 v26, v59;
	v61 =	vadd.f32 $1.000000000e+00, v60;
	v62 =	vmul.f32 $6.666667010e-02, v60  }
0xf2: {  	v59 =	vmul.f32 $1.500000000e+01, v18;
	vm7 =	vgt.s32 v43, $0x0;
	v29 =	vsel vm1, $0xFFFFFFFF, v4  }
0xf3: {  	vm8 =	vgt.f32 v26, v41;
	vm1 =	vgt.f32 v26, $0.0e+00;
	v55 =	vnsel vm7, $0x0, v43  }
0xf4: {  	v29 =	vadd.s32 v29, v52;
	v41 =	vsel vm8, $0x1, v4;
	v63 =	vmul.f32 $6.666667010e-02, v61  }
0xf5: {  	v52 =	vmul.f32 $1.500000000e+01, v24;
	vm3 =	vle.f32 v25, v62;
	vm4 =	vmand vm12, vm1  }
0xf6: {  	s24 =	sadd.s32 $0xFFFFFF97, s22;
	v57 =	vmin.u32 v55, $0xE;
	v29 =	vadd.s32 v41, v29;
	v26 =	vsel vm3, $0xFFFFFFFF, v4  }
0xf7: {  	v55 =	vmul.f32 $1.500000000e+01, v23;
	vm3 =	vgt.f32 v25, $0.0e+00;
	v40 =	vadd.s32 s24, v57  }
0xf8: {  	vm10 =	vgt.s32 v29, $0x0;
	vm11 =	vgt.f32 v25, v63;
	v53 =	vtrunc.f32 v52  }
0xf9: {  	v26 =	vadd.s32 v26, v42;
	v43 =	vadd.s32 v1, v40;
	v45 =	vadd.s32 v5, v40  }
0xfa: {  	v44 =	vadd.s32 v6, v40;
	v40 =	vadd.s32 v7, v40;
	v29 =	vnsel vm10, $0x0, v29  }
0xfb: {  	s25 =	sadd.s32 $0xFFFFFFA6, s22;
	v54 =	vsel vm11, $0x1, v4;
	v41 =	vcvt.f32.s32 v53;
	v29 =	vmin.u32 v29, $0xE  }
0xfc: {  	v57 =	vtrunc.f32 v55;
	v26 =	vadd.s32 v54, v26;
	v29 =	vadd.s32 s25, v29  }
0xfd: {  	vm13 =	vgt.s32 v26, $0x0;
	vm5 =	vlt.s32 v41, $0xF;
	v47 =	vadd.s32 v1, v29  }
0xfe: {  	v48 =	vadd.s32 v5, v29;
	v26 =	vnsel vm13, $0x0, v26;
	v41 =	vnsel vm5, $0xF, v41  }
0xff: {  	s26 =	sadd.s32 $0xFFFFFFB5, s22;
	v46 =	vadd.s32 v6, v29;
	v26 =	vmin.u32 v26, $0xE;
	v56 =	vcvt.s32.f32 v41  }
0x100: {  	v29 =	vadd.s32 v7, v29;
	vm5 =	vgt.f32 v23, $0.0e+00;
	v25 =	vadd.s32 s26, v26  }
0x101: {  	v26 =	vcvt.f32.s32 v57;
	v42 =	vadd.s32 v1, v25;
	v58 =	vadd.f32 $1.000000000e+00, v56  }
0x102: {  	v51 =	vadd.s32 v5, v25;
	v52 =	vadd.s32 v6, v25;
	v49 =	vmul.f32 $6.666667010e-02, v56  }
0x103: {  	v25 =	vadd.s32 v7, v25;
	vm6 =	vlt.s32 v26, $0xF;
	v50 =	vmul.f32 $6.666667010e-02, v58  }
0x104: {  	[tilespmem:v43+s12+$0x0] =	vst.idx.add.f32.msk vm0, v3;
	vm7 =	vle.f32 v24, v49;
	v26 =	vnsel vm6, $0xF, v26;
	v49 =	vtrunc.f32 v59  }
0x105: {  	[tilespmem:v45+s12+$0x0] =	vst.idx.add.f32.msk vm0, v28;
	vm6 =	vgt.f32 v24, $0.0e+00;
	v58 =	vmul.f32 $1.500000000e+01, v16;
	v53 =	vsel vm7, $0xFFFFFFFF, v4  }
0x106: {  	[tilespmem:v44+s12+$0x0] =	vst.idx.add.f32.msk vm0, v22;
	v60 =	vcvt.s32.f32 v26;
	v49 =	vcvt.f32.s32 v49;
	vm7 =	vmand vm14, vm3  }
0x107: {  	[tilespmem:v40+s12+$0x0] =	vst.idx.add.f32.msk vm2, v3;
	vm15 =	vgt.f32 v24, v50;
	v41 =	vadd.s32 v53, v41;
	v59 =	vtrunc.f32 v58  }
0x108: {  	[tilespmem:v47+s12+$0x0] =	vst.idx.add.f32.msk vm1, v3;
	v61 =	vsel vm15, $0x1, v4;
	v62 =	vadd.f32 $1.000000000e+00, v60;
	v50 =	vmul.f32 $6.666667010e-02, v60  }
0x109: {  	[tilespmem:v48+s12+$0x0] =	vst.idx.add.f32.msk vm1, v27;
	vm10 =	vlt.s32 v49, $0xF;
	vm15 =	veq.s32 v14, $0x3;
	v41 =	vadd.s32 v61, v41  }
0x10a: {  	[tilespmem:v46+s12+$0x0] =	vst.idx.add.f32.msk vm1, v21;
	v49 =	vnsel vm10, $0xF, v49;
	vm9 =	vgt.s32 v41, $0x0;
	v53 =	vmul.f32 $6.666667010e-02, v62  }
0x10b: {  	[tilespmem:v29+s12+$0x0] =	vst.idx.add.f32.msk vm4, v3;
	vm11 =	vle.f32 v23, v50;
	v63 =	vcvt.s32.f32 v49;
	v41 =	vnsel vm9, $0x0, v41  }
0x10c: {  	vm0 =	vmand vm15, vm6;
	[tilespmem:v42+s12+$0x0] =	vst.idx.add.f32.msk vm3, v3;
	v50 =	vsel vm11, $0xFFFFFFFF, v4;
	v41 =	vmin.u32 v41, $0xE  }
0x10d: {  	[tilespmem:v51+s12+$0x0] =	vst.idx.add.f32.msk vm3, v31;
	vm12 =	vgt.f32 v23, v53;
	v55 =	vadd.s32 v50, v26;
	v57 =	vmul.f32 $6.666667010e-02, v63  }
0x10e: {  	s28 =	sadd.s32 $0xFFFFFFC4, s22;
	v60 =	vadd.f32 $1.000000000e+00, v63;
	v26 =	vcvt.f32.s32 v59;
	v63 =	vmul.f32 $1.500000000e+01, v15;
	[tilespmem:v52+s12+$0x0] =	vst.idx.add.f32.msk vm3, v20  }
0x10f: {  	v56 =	vsel vm12, $0x1, v4;
	v41 =	vadd.s32 s28, v41;
	[tilespmem:v25+s12+$0x0] =	vst.idx.add.f32.msk vm7, v3;
	vm7 =	vgt.f32 v18, $0.0e+00  }
0x110: {  	v24 =	vadd.s32 v56, v55;
	v23 =	vadd.s32 v1, v41;
	vm8 =	vle.f32 v18, v57  }
0x111: {  	v53 =	vadd.s32 v5, v41;
	v50 =	vmul.f32 $6.666667010e-02, v60;
	vm14 =	vlt.s32 v26, $0xF  }
0x112: {  	v43 =	vadd.s32 v6, v41;
	v55 =	vtrunc.f32 v63;
	v61 =	vsel vm8, $0xFFFFFFFF, v4  }
0x113: {  	vm13 =	vgt.s32 v24, $0x0;
	v26 =	vnsel vm14, $0xF, v26;
	vm14 =	veq.s32 v14, $0x4  }
0x114: {  	v49 =	vadd.s32 v61, v49;
	v24 =	vnsel vm13, $0x0, v24;
	vm9 =	vgt.f32 v18, v50  }
0x115: {  	v62 =	vcvt.s32.f32 v26;
	v50 =	vadd.s32 v7, v41;
	v41 =	vcvt.f32.s32 v55  }
0x116: {  	s29 =	sadd.s32 $0xFFFFFFD3, s22;
	vm15 =	vmand vm14, vm5;
	v24 =	vmin.u32 v24, $0xE;
	v56 =	vsel vm9, $0x1, v4  }
0x117: {  	v54 =	vmul.f32 $6.666667010e-02, v62;
	v28 =	vadd.f32 $1.000000000e+00, v62;
	v24 =	vadd.s32 s29, v24  }
0x118: {  	v58 =	vadd.s32 v56, v49;
	vm10 =	vlt.s32 v41, $0xF;
	v57 =	vadd.s32 v1, v24  }
0x119: {  	v59 =	vnsel vm10, $0xF, v41;
	v60 =	vadd.s32 v5, v24;
	v62 =	vadd.s32 v6, v24  }
0x11a: {  	vm12 =	vgt.s32 v58, $0x0;
	v45 =	vadd.s32 v7, v24;
	vm9 =	vle.f32 v16, v54  }
0x11b: {  	[tilespmem:v23+s12+$0x0] =	vst.idx.add.f32.msk vm6, v3;
	v28 =	vmul.f32 $6.666667010e-02, v28;
	v41 =	vcvt.s32.f32 v59;
	v63 =	vnsel vm12, $0x0, v58  }
0x11c: {  	vm10 =	veq.s32 v14, $0x5;
	[tilespmem:v53+s12+$0x0] =	vst.idx.add.f32.msk vm6, v37;
	v40 =	vsel vm9, $0xFFFFFFFF, v4;
	v20 =	vmin.u32 v63, $0xE  }
0x11d: {  	s30 =	sadd.s32 $0xFFFFFFE2, s22;
	[tilespmem:v43+s12+$0x0] =	vst.idx.add.f32.msk vm6, v19;
	vm11 =	vgt.f32 v16, v28;
	v26 =	vadd.s32 v40, v26;
	v40 =	vadd.f32 $1.000000000e+00, v41  }
0x11e: {  	v44 =	vmul.f32 $6.666667010e-02, v41;
	v46 =	vadd.s32 s30, v20;
	[tilespmem:v50+s12+$0x0] =	vst.idx.add.f32.msk vm0, v3;
	vm0 =	vmand vm10, vm7  }
0x11f: {  	v61 =	vsel vm11, $0x1, v4;
	v20 =	vadd.s32 v1, v46;
	v48 =	vadd.s32 v5, v46  }
0x120: {  	v49 =	vadd.s32 v6, v46;
	v26 =	vadd.s32 v61, v26;
	v21 =	vmul.f32 $6.666667010e-02, v40  }
0x121: {  	v18 =	vadd.s32 v7, v46;
	vm8 =	vle.f32 v15, v44;
	vm13 =	vgt.s32 v26, $0x0  }
0x122: {  	[tilespmem:v57+s12+$0x0] =	vst.idx.add.f32.msk vm5, v3;
	v47 =	vsel vm8, $0xFFFFFFFF, v4;
	v42 =	vnsel vm13, $0x0, v26;
	vm9 =	vgt.f32 v15, v21  }
0x123: {  	s31 =	sadd.s32 $0xFFFFFFF1, s22;
	[tilespmem:v60+s12+$0x0] =	vst.idx.add.f32.msk vm5, v35;
	v19 =	vadd.s32 v47, v59;
	v21 =	vsel vm9, $0x1, v4;
	v25 =	vmin.u32 v42, $0xE  }
0x124: {  	vm11 =	vgt.f32 v16, $0.0e+00;
	[tilespmem:v62+s12+$0x0] =	vst.idx.add.f32.msk vm5, v17;
	v50 =	vadd.s32 s31, v25;
	v51 =	vadd.s32 v21, v19  }
0x125: {  	v52 =	vmul.f32 v39, v36;
	[tilespmem:v45+s12+$0x0] =	vst.idx.add.f32.msk vm15, v3;
	v53 =	vadd.s32 v1, v50;
	vm12 =	vgt.s32 v51, $0x0  }
0x126: {  	vm13 =	veq.s32 v14, $0x6;
	[tilespmem:v20+s12+$0x0] =	vst.idx.add.f32.msk vm7, v3;
	v54 =	vadd.s32 v5, v50;
	v17 =	vnsel vm12, $0x0, v51  }
0x127: {  	vm2 =	vmand vm13, vm11;
	[tilespmem:v48+s12+$0x0] =	vst.idx.add.f32.msk vm7, v33;
	v55 =	vadd.s32 v6, v50;
	v17 =	vmin.u32 v17, $0xE  }
0x128: {  	vm14 =	vgt.f32 v15, $0.0e+00;
	v16 =	vadd.s32 v7, v50;
	[tilespmem:v49+s12+$0x0] =	vst.idx.add.f32.msk vm7, v32;
	v56 =	vadd.s32 s22, v17  }
0x129: {  	v58 =	vcvt.s32.f32 v34;
	v57 =	vadd.f32 v52, v38;
	[tilespmem:v18+s12+$0x0] =	vst.idx.add.f32.msk vm0, v3;
	v59 =	vadd.s32 v1, v56  }
0x12a: {  	v13 =	vsub.f32 v13, v10;
	vm15 =	veq.s32 v14, $0x7;
	v60 =	vadd.s32 v5, v56;
	[tilespmem:v53+s12+$0x0] =	vst.idx.add.f32.msk vm11, v3  }
0x12b: {  	v61 =	vadd.f32 v58, v57;
	vm0 =	vmand vm15, vm14;
	v62 =	vadd.s32 v6, v56;
	[tilespmem:v54+s12+$0x0] =	vst.idx.add.f32.msk vm11, v30  }
0x12c: {  	p1 =	seq.s32 s22, $0x771;
	v63 =	vadd.s32 v7, v56;
	[tilespmem:v55+s12+$0x0] =	vst.idx.add.f32.msk vm11, v13  }
.Ltmp3:
0x12d: {  	v14 =	vmul.f32 $6.931471820e-01, v61;
	[tilespmem:v16+s12+$0x0] =	vst.idx.add.f32.msk vm2, v3;
	(pc) =	sbr.rel @!p1 .LBB2_9-.Ltmp3, $4  }
0x12e: {  	v12 =	vsub.f32 v12, v10;
	[tilespmem:v59+s12+$0x0] =	vst.idx.add.f32.msk vm14, v3  }
0x12f: {  	[tilespmem:v60+s12+$0x0] =	vst.idx.add.f32.msk vm14, v14  }
0x130: {  	[tilespmem:v62+s12+$0x0] =	vst.idx.add.f32.msk vm14, v12  }
0x131: {  	s23 =	sadd.s32 $0x8, s23;
	s21 =	sadd.s32 $0x80, s21;
	s22 =	sadd.s32 $0x78, s22;
	[tilespmem:v63+s12+$0x0] =	vst.idx.add.f32.msk vm0, v3  }
0x132: {  	p1 =	seq.s32 s20, $0x80  }
.Ltmp4:
0x133: {  	_ = 	snop;
	(pc) =	sbr.rel @!p1 .LBB2_4-.Ltmp4, $2  }
0x134: {  	_ =	sdelay $0x2  }
0x135: {  	p0 =	por !p0, !p0  }
0x136: {  	s21 =	simm.s32 $0x1C20F  }
0x137: {  	s22 =	simm.s32 $0x1A40E;
	v8 =	vadd.s32 s21, v0  }
0x138: {  	s30 =	simm.s32 $0x1860D;
	v9 =	vadd.s32 s22, v0  }
0x139: {  	s31 =	simm.s32 $0x1680C;
	v10 =	vadd.s32 s30, v0  }
0x13a: {  	s20 =	simm.s32 $0xD207;
	s19 =	simm.s32 $0x1800;
	v11 =	vadd.s32 s31, v0  }
0x13b: {  	s23 =	simm.s32 $0x7804;
	v12 =	vadd.s32 s20, v0;
	v23 =	vld [tilespmem:s19+$0x0]  }
0x13c: {  	s24 =	simm.s32 $0x14A0B;
	v15 =	vadd.s32 s23, v0;
	v8 =	vld.idx.msk [tilespmem:v8+s12+$0x0], $0xffff  }
0x13d: {  	s25 =	simm.s32 $0x10E09;
	v16 =	vadd.s32 s24, v0;
	v9 =	vld.idx.msk [tilespmem:v9+s12+$0x0], $0xffff  }
0x13e: {  	s26 =	simm.s32 $0x12C0A;
	v17 =	vadd.s32 s25, v0;
	v10 =	vld.idx.msk [tilespmem:v10+s12+$0x0], $0xffff  }
0x13f: {  	s28 =	simm.s32 $0xB406;
	v18 =	vadd.s32 s26, v0;
	v11 =	vld.idx.msk [tilespmem:v11+s12+$0x0], $0xffff  }
0x140: {  	s29 =	simm.s32 $0x5A03;
	v19 =	vadd.s32 s28, v0;
	v12 =	vld.idx.msk [tilespmem:v12+s12+$0x0], $0xffff  }
0x141: {  	s21 =	simm.s32 $0xF008;
	v20 =	vadd.s32 s29, v0;
	v15 =	vld.idx.msk [tilespmem:v15+s12+$0x0], $0xffff  }
0x142: {  	s22 =	simm.s32 $0x9605;
	v13 =	vadd.s32 s21, v0;
	v16 =	vld.idx.msk [tilespmem:v16+s12+$0x0], $0xffff  }
0x143: {  	s31 =	simm.s32 $0x1E01;
	v14 =	vadd.s32 s22, v0;
	v17 =	vld.idx.msk [tilespmem:v17+s12+$0x0], $0xffff  }
0x144: {  	s30 =	simm.s32 $0x3C02;
	v22 =	vadd.s32 s31, v0;
	v18 =	vld.idx.msk [tilespmem:v18+s12+$0x0], $0xffff  }
0x145: {  	v21 =	vadd.s32 s30, v0;
	v19 =	vld.idx.msk [tilespmem:v19+s12+$0x0], $0xffff  }
0x146: {  	v20 =	vld.idx.msk [tilespmem:v20+s12+$0x0], $0xffff  }
0x147: {  	v13 =	vld.idx.msk [tilespmem:v13+s12+$0x0], $0xffff  }
0x148: {  	v14 =	vld.idx.msk [tilespmem:v14+s12+$0x0], $0xffff  }
0x149: {  	v22 =	vld.idx.msk [tilespmem:v22+s12+$0x0], $0xffff  }
0x14a: {  	v21 =	vld.idx.msk [tilespmem:v21+s12+$0x0], $0xffff  }
0x14b: {  	v10 =	vadd.f32 v10, v11  }
0x14c: {  	v8 =	vadd.f32 v8, v9;
	v11 =	vadd.f32 v16, v18  }
0x14d: {  	v14 =	vadd.f32 v14, v15;
	v9 =	vadd.f32 v17, v13  }
0x14e: {  	v13 =	vadd.f32 v12, v19;
	v12 =	vadd.f32 v22, v23  }
0x14f: {  	v8 =	vadd.f32 v8, v10;
	v10 =	vadd.f32 v20, v21  }
0x150: {  	s20 =	simm.s32 $0x1800;
	s21 =	simm.s32 $0xD217;
	v11 =	vadd.f32 v11, v9;
	v9 =	vadd.f32 v13, v14  }
.LBB2_12:
0x151: {  	p0 =	sne.s32 s21, $0xEFF7  }
0x152: {  	s19 =	sadd.s32 $0x10, s19;
	s22 =	smov.u32 s21;
	s21 =	sadd.s32 $0x10, s21  }
0x153: {  	v8 =	vadd.f32 v8, v11;
	v10 =	vadd.f32 v10, v12  }
0x154: {  	s23 =	sadd.s32 $0xF008, s22  }
0x155: {  	s24 =	sadd.s32 $0xD207, s22;
	v11 =	vadd.s32 s23, v0;
	v9 =	vadd.f32 v9, v10  }
0x156: {  	s23 =	sadd.s32 $0xB406, s22;
	v10 =	vadd.s32 s24, v0  }
0x157: {  	s24 =	sadd.s32 $0x9605, s22;
	v12 =	vadd.s32 s23, v0;
	v8 =	vadd.f32 v8, v9  }
0x158: {  	v9 =	vadd.s32 s24, v0  }
0x159: {  	v13 =	vadd.s32 s22, v0;
	s23 =	sadd.s32 $0x1E01, s22;
	s24 =	sadd.s32 $0x3C02, s22;
	[tilespmem:s20+$0x0] =	vst v8;
	s20 =	smov.u32 s19  }
0x15a: {  	s25 =	sadd.s32 $0xFFFFA5FD, s22;
	s26 =	sadd.s32 $0xFFFFC3FE, s22;
	s28 =	sadd.s32 $0xFFFFE1FF, s22;
	v14 =	vadd.s32 s24, v0;
	v8 =	vadd.s32 s23, v0;
	v11 =	vld.idx.msk [tilespmem:v11+s12+$0x0], $0xffff  }
0x15b: {  	s29 =	sadd.s32 $0xFFFF87FC, s22;
	v15 =	vadd.s32 s25, v0;
	v16 =	vadd.s32 s26, v0;
	v17 =	vadd.s32 s28, v0;
	s24 =	sadd.s32 $0xFFFF69FB, s22;
	s23 =	sadd.s32 $0xFFFF4BFA, s22;
	v10 =	vld.idx.msk [tilespmem:v10+s12+$0x0], $0xffff  }
0x15c: {  	v20 =	vadd.s32 s29, v0;
	v19 =	vadd.s32 s24, v0;
	v18 =	vadd.s32 s23, v0;
	s23 =	sadd.s32 $0x5A03, s22;
	s22 =	sadd.s32 $0x7804, s22;
	v12 =	vld.idx.msk [tilespmem:v12+s12+$0x0], $0xffff  }
0x15d: {  	v21 =	vadd.s32 s23, v0;
	v22 =	vadd.s32 s22, v0;
	v9 =	vld.idx.msk [tilespmem:v9+s12+$0x0], $0xffff  }
0x15e: {  	v13 =	vld.idx.msk [tilespmem:v13+s12+$0x0], $0xffff  }
0x15f: {  	v8 =	vld.idx.msk [tilespmem:v8+s12+$0x0], $0xffff  }
0x160: {  	v16 =	vld.idx.msk [tilespmem:v16+s12+$0x0], $0xffff  }
0x161: {  	v15 =	vld.idx.msk [tilespmem:v15+s12+$0x0], $0xffff  }
0x162: {  	v22 =	vld.idx.msk [tilespmem:v22+s12+$0x0], $0xffff  }
0x163: {  	v9 =	vadd.f32 v12, v9;
	v14 =	vld.idx.msk [tilespmem:v14+s12+$0x0], $0xffff  }
0x164: {  	v12 =	vld.idx.msk [tilespmem:v21+s12+$0x0], $0xffff  }
0x165: {  	v17 =	vld.idx.msk [tilespmem:v17+s12+$0x0], $0xffff  }
0x166: {  	v20 =	vld.idx.msk [tilespmem:v20+s12+$0x0], $0xffff  }
0x167: {  	v15 =	vadd.f32 v16, v15;
	v19 =	vld.idx.msk [tilespmem:v19+s12+$0x0], $0xffff  }
0x168: {  	v16 =	vld.idx.msk [tilespmem:v18+s12+$0x0], $0xffff  }
0x169: {  	v14 =	vadd.f32 v14, v8;
	v18 =	vld [tilespmem:s19+$0x0]  }
.Ltmp5:
0x16a: {  	v8 =	vadd.f32 v11, v10;
	v12 =	vadd.f32 v22, v12;
	(pc) =	sbr.rel @p0 .LBB2_12-.Ltmp5, $4  }
0x16b: {  	v13 =	vadd.f32 v13, v17  }
0x16c: {  	v8 =	vadd.f32 v8, v9  }
0x16d: {  	v11 =	vadd.f32 v12, v14;
	v10 =	vadd.f32 v20, v19  }
0x16e: {  	v9 =	vadd.f32 v13, v15;
	v12 =	vadd.f32 v16, v18  }
0x16f: {  	_ = 	snop  }
0x170: {  	v10 =	vadd.f32 v10, v12;
	_ =	sdelay $0x1  }
0x171: {  	v8 =	vadd.f32 v8, v11;
	v9 =	vadd.f32 v9, v10;
	_ =	sdelay $0x1  }
0x172: {  	v8 =	vadd.f32 v8, v9;
	_ =	sdelay $0x1  }
0x173: {  	[tilespmem:s20+$0x0] =	vst v8  }
0x174: {  	[hbm4b:s5+s13] =	stream.strided.scatter [tilespmem:s12], [sflag:$0x3], $0x780, s14, s13, $0x38;
	[tilespmem:$0x1F880] =	vst v63  }
0x175: {  	_ =	swait.ge [sflag:s11], $0x780  }
0x176: {  	[sflag:s11] =	ssyncset.done $0x0  }
0x177: {  	[sflag:s11] =	ssyncadd.s32 $0xFFFFF880  }
0x178: {  	[hbm4b:s6+s13] =	stream.strided.scatter [tilespmem:s15], [sflag:$0x3], $0x780, s14, s13, $0x38;
	[tilespmem:$0x1F880] =	vst v63  }
0x179: {  	_ =	swait.ge [sflag:s11], $0x780  }
0x17a: {  	[sflag:s11] =	ssyncset.done $0x0  }
0x17b: {  	[sflag:s11] =	ssyncadd.s32 $0xFFFFF880  }
0x17c: {  	[hbm4b:s7+s13] =	stream.strided.scatter [tilespmem:s16], [sflag:$0x3], $0x780, s14, s13, $0x38;
	[tilespmem:$0x1F880] =	vst v63  }
0x17d: {  	s18 =	sadd.s32 $0x1, s18;
	_ =	swait.ge [sflag:s11], $0x780  }
0x17e: {  	p0 =	sne.s32 s18, s9;
	[sflag:s11] =	ssyncset.done $0x0  }
.Ltmp6:
0x17f: {  	[sflag:s11] =	ssyncadd.s32 $0xFFFFF880;
	(pc) =	sbr.rel @p0 .LBB2_1-.Ltmp6, $4  }
0x180: {  	[hbm4b:s8+s13] =	stream.strided.scatter [tilespmem:s17], [sflag:$0x3], $0x780, s14, s13, $0x38;
	[tilespmem:$0x1F880] =	vst v63  }
0x181: {  	_ =	swait.ge [sflag:s11], $0x780  }
0x182: {  	[sflag:s11] =	ssyncset.done $0x0  }
0x183: {  	[sflag:s11] =	ssyncadd.s32 $0xFFFFF880  }
0x184: {  	_ =	sfence.sel $0x180000  }
0x185: {  	[bflag:$0x0] =	sbarrier.arrive $0xFFFF  }
0x186: {  	p0 =	sne.s32 s1, $0x0;
	_ =	strace $0x9000004A  }
0x187: {  	s0 =	sadd.s32 @!p0 $0x100000, s0;
	[bflag:$0x2] =	sbarrier.arrive $0xFFFF  }
0x188: {  	[sflag:s0] =	ssyncadd.tile.s32 @!p0 $0x1;
	_ =	shalt  }
.Lfunc_end2:
_tile_overlayer_lowered:
.L_overlay_start_2:
0x189: {  	(tag) =	ssettag $0x2  }
0x18a: {  	s0 =	rddreg [dreg:$0x0];
	s2 =	stileid.u32  }
0x18b: {  	s1 =	rddreg [dreg:$0x1];
	p0 =	sne.s32 s2, $0x0  }
0x18c: {  	s3 =	rddreg [dreg:$0x2];
	[bflag:$0x3] =	sbarrier.arrive $0xFFFF;
	s2 =	simm.s32 @!p0 $0x1C03  }
0x18d: {  	[timem:s3], [sflag:s2] =	dma.local @!p0 [hbm:s0], s1  }
0x18e: {  	s0 =	simm.s32 @!p0 $0x3  }
0x18f: {  	_ =	swait.ge @!p0 [sflag:s0], s1  }
0x190: {  	s1 =	ssub.s32 @!p0 $0x0, s1;
	[sflag:s0] =	ssyncset.done @!p0 $0x0  }
0x191: {  	[sflag:s0] =	ssyncadd.s32 @!p0 s1  }
0x192: {  	[bflag:$0x3] =	sbarrier.arrive $0xFFFF  }
0x193: {  	_ =	shalt  }

// kernel: sparse-core-data-format-call.cloned.1.call-start
scs
called_computation_lowered:
.L_overlay_start_0:
0x0: {  	s2 =	sld [smem:$0x3FD9]  }
0x1: {  	s3 =	sld [smem:$0x3FFE];
	_ =	sdelay $0x1  }
0x2: {  	s1 =	srdreg.scid  }
0x3: {  	s0 =	sand.u32 $0x1, s1  }
0x4: {  	s18 =	sshll.u32 s0, $0xA;
	s2 =	sadd.s32 s3, s2  }
0x5: {  	s2 =	sadd.s32 s2, s18  }
0x6: {  	[smem:$0x3FC6] =	sst s2  }
0x7: {  	_ = 	snop  }
0x8: {  	s2 =	sld [smem:$0x3FC9];
	(tm) =	ssettm $0x1  }
0x9: {  	s19 =	sld [smem:$0x3FFB];
	_ =	sdelay $0x3  }
0xa: {  	_ =	strace s19  }
0xb: {  	s3 =	sld [smem:$0x3FFC];
	_ =	sdelay $0x3  }
0xc: {  	_ =	strace s3  }
0xd: {  	s3 =	sld [smem:$0x3FFD];
	_ =	sdelay $0x3  }
0xe: {  	_ =	strace s3  }
0xf: {  	_ =	strace $0x8FFFFFFF  }
0x10: {  	s20 =	sld [smem:$0x3FDB];
	_ =	sdelay $0x1  }
0x11: {  	s4 =	simm.s32 $_scs_section_size  }
0x12: {  	s5 =	simm.s32 $_size__tile_overlayer_lowered;
	s6 =	simm.s32 $_tile_overlayer_lowered  }
0x13: {  	s23 =	simm.s32 $0x1BFF;
	s22 =	sshll.u32 s6, $0x1;
	s3 =	sadd.s32 s4, s20  }
0x14: {  	s7 =	simm.s32 $0x0;
	s21 =	sshll.u32 s5, $0x1;
	s5 =	sadd.s32 s22, s3  }
0x15: {  	[timem:s7], [sflag:s23] =	dma.local [hbm:s5], s21  }
0x16: {  	_ =	swait.ge [sflag:s23], s21  }
0x17: {  	s4 =	ssub.s32 $0x0, s21;
	[sflag:s23] =	ssyncset.done $0x0  }
0x18: {  	[sflag:s23] =	ssyncadd.s32 s4;
	_ =	sdelay $0x1  }
0x19: {  	s24 =	simm.s32 $0x1B8B  }
0x1a: {  	_ =	swait.ge [sflag:s24], $0x1  }
0x1b: {  	[sflag:s24] =	ssyncset.done $0x0  }
0x1c: {  	s26 =	simm.s32 $0x1B8E;
	s25 =	sld [smem:$0x3FFE];
	[sflag:s24] =	ssyncadd.s32 $0xFFFFFFFF  }
0x1d: {  	s27 =	simm.s32 $execute0_lowered;
	[smem:$0x3FD2] =	sst s26  }
0x1e: {  	s5 =	sshll.u32 s27, $0x1;
	_ =	strace $0x80000046;
	[dreg:$0x1] =	wrdreg $0xFFFFFFFF  }
0x1f: {  	s28 =	simm.s32 $_size_execute0_lowered;
	s3 =	sadd.s32 s3, s5;
	[dreg:$0x0] =	wrdreg $0x0  }
0x20: {  	s5 =	sshll.u32 s28, $0x1;
	[dreg:$0x2] =	wrdreg s3  }
0x21: {  	[dreg:$0x3] =	wrdreg s5  }
0x22: {  	[dreg:$0x4] =	wrdreg $0xC0  }
0x23: {  	_ =	task [dreg:s7], $0x5FFFF  }
0x24: {  	[dreg:$0x1] =	wrdreg $0xFFFFFFFF  }
0x25: {  	[dreg:$0x0] =	wrdreg $0x60  }
0x26: {  	[dreg:$0x2] =	wrdreg s2  }
0x27: {  	[dreg:$0x3] =	wrdreg s25  }
0x28: {  	[dreg:$0x4] =	wrdreg $0x9  }
0x29: {  	_ =	task.clear_ibuf [dreg:s7], $0x5FFFF;
	_ =	strace $0x90000046  }
0x2a: {  	s29 =	simm.s32 $0x9;
	_ =	strace $0x80000048  }
0x2b: {  	_ =	swait.ge [sflag:s29], $0x1  }
0x2c: {  	[sflag:s29] =	ssyncadd.s32 $0xFFFFFFFF  }
0x2d: {  	_ =	strace $0x90000048  }
0x2e: {  	_ =	sfence  }
0x2f: {  	s30 =	sld [smem:$0x0];
	_ =	sdelay $0x2  }
0x30: {  	s31 =	sshll.u32 s1, $0xD;
	s1 =	sshrl.u32 s1, $0x2  }
0x31: {  	s3 =	sand.u32 $0x4000, s31;
	s1 =	sadd.s32 s1, s30  }
0x32: {  	s0 =	sor.u32 s3, s0;
	s1 =	sshll.u32 s1, $0x11  }
0x33: {  	s0 =	sor.u32 s1, s0  }
0x34: {  	s0 =	sadd.s32 $0x8F2B, s0  }
0x35: {  	[sflag:s0] =	ssyncadd.remote.s32 $0x1  }
0x36: {  	_ =	sfence.sel $0xFFFF  }
0x37: {  	[dreg:$0x0] =	wrdreg $0xFFFFFFFF;
	(pc) =	sbr.abs _section_cstart, $3  }
0x38: {  	[dreg:$0x1] =	wrdreg $0xFFFFFFFF  }
0x39: {  	_ =	task.clear_ibuf [dreg:s7], $0x2FFFF;
	_ =	strace $0x9FFFFFFF  }
0x3a: {  	(tm) =	ssettm $0x7FFFFFFF  }
0x3b: {  	_ =	shalt  }
tec
execute0_lowered:
.L_overlay_start_1:
0x0: {  	(tag) =	ssettag $0x1  }
0x1: {  	s2 =	rddreg [dreg:$0x0]  }
0x2: {  	s1 =	rddreg [dreg:$0x1]  }
0x3: {  	s0 =	rddreg [dreg:$0x2];
	_ =	strace $0x80000047;
	s4 =	srdreg.scid  }
0x4: {  	s6 =	simm.s32 $0x2;
	s11 =	simm.s32 $0x0;
	p0 =	por $0x0, $0x0  }
.Ltmp0:
0x5: {  	s7 =	simm.s32 $0x80;
	s12 =	simm.s32 $0x0;
	(pc) =	sbr.rel .LBB1_1-.Ltmp0, $4  }
0x6: {  	s9 =	simm.s32 $0x0;
	s3 =	sadd.s32 $0xA00, s1;
	s5 =	sshll.u32 s4, $0x4  }
0x7: {  	s1 =	stileid.u32;
	s4 =	simm.s32 $0x1;
	s5 =	sand.u32 $0x10, s5  }
0x8: {  	s8 =	simm.s32 $0x0;
	[sflag:s4] =	ssyncpa.u1 $0x0;
	s5 =	sor.u32 s1, s5  }
0x9: {  	[sflag:s6] =	ssyncpa.u1 $0x0;
	s6 =	simm.s32 $0x10;
	s10 =	smov.u32 s5  }
.LBB1_7:
0xa: {  	s13 =	sadd.s32 $0x8, s9  }
0xb: {  	s11 =	sadd.s32 $0x20, s10;
	s15 =	smov.u32 s10;
	p2 =	sgt.s32 s13, $0x7F  }
0xc: {  	p1 =	slt.u32 s8, $0x2;
	s15 =	smov.u32 @p2 s11  }
0xd: {  	s8 =	sadd.s32 $0x1, s8;
	s13 =	simm.s32 @p2 $0x0;
	p2 =	sgt.s32 s15, $0x1F  }
0xe: {  	s15 =	smov.u32 @p2 s5;
	p2 =	sne.s32 s8, $0x12  }
.Ltmp1:
0xf: {  	_ = 	snop;
	(pc) =	sbr.rel @!p2 .LBB1_8-.Ltmp1, $4  }
0x10: {  	s14 =	simm.s32 @!p1 $0x2  }
0x11: {  	s12 =	smov.u32 s10;
	_ =	swait.ge @!p1 [sflag:s14], $0x4000  }
0x12: {  	p0 =	por !p0, !p0;
	s11 =	smov.u32 s9;
	[sflag:s14] =	ssyncset.done @!p1 $0x0  }
0x13: {  	s9 =	smov.u32 s13;
	[sflag:s14] =	ssyncadd.s32 @!p1 $0xFFFFC000;
	s10 =	smov.u32 s15  }
.LBB1_1:
0x14: {  	p1 =	sgt.u32 s8, $0xF  }
0x15: {  	s13 =	sxor.u32 @!p1 $0xFFFFFFFF, s8;
	s14 =	sshll.u32 @!p1 s10, $0xF  }
0x16: {  	s15 =	sshll.u32 @!p1 s9, $0x8;
	s13 =	sshll.u32 @!p1 s13, $0xE;
	s14 =	sadd.s32 @!p1 s2, s14  }
0x17: {  	s13 =	sand.u32 @!p1 $0x4000, s13;
	s14 =	sadd.s32 @!p1 s15, s14;
	s15 =	simm.s32 @!p1 $0x0  }
0x18: {  	[tilespmem:s13], [sflag:$0x1] =	stream.linear.gather @!p1 [hbm4b:s14+s15], $0x4000, $0x38;
	[tilespmem:$0x10800] =	vst v63  }
0x19: {  	p1 =	seq.s32 s8, $0x0  }
0x1a: {  	p2 =	seq.s32 @!p1 s8, $0x11  }
0x1b: {  	p1 =	por p1, p2  }
.Ltmp2:
0x1c: {  	_ = 	snop;
	(pc) =	sbr.rel @p1 .LBB1_7-.Ltmp2, $1  }
0x1d: {  	_ =	sdelay $0x3  }
0x1e: {  	s14 =	simm.s32 $0x1;
	s15 =	sand.u32 $0x1, s8  }
0x1f: {  	_ =	swait.ge [sflag:s4], $0x4000;
	s14 =	simm.s32 @!p0 $0x0;
	s16 =	smul.u32 $0x11000, s15  }
0x20: {  	[sflag:s4] =	ssyncset.done $0x0;
	s13 =	smul.u32 $0x11000, s14  }
0x21: {  	s14 =	sshll.u32 s14, $0xE;
	[sflag:s4] =	ssyncadd.s32 $0xFFFFC000  }
0x22: {  	s15 =	sor.u32 $0x40, s14;
	s31 =	sshrl.u32 s16, $0x2;
	s13 =	sshrl.u32 s13, $0x2  }
0x23: {  	s16 =	simm.s32 $0x0;
	s14 =	sor.u32 $0x8000, s31;
	s13 =	sor.u32 $0x8000, s13  }
.LBB1_3:
0x24: {  	v0 =	vld [tilespmem:s15+$0x30]  }
0x25: {  	v1 =	vld [tilespmem:s15+$0xFFFFFFD0]  }
0x26: {  	v5 =	vld [tilespmem:s15+$0xFFFFFFE0]  }
0x27: {  	v6 =	vld [tilespmem:s15+$0xFFFFFFF0]  }
0x28: {  	s17 =	sadd.s32 $0x0, s13;
	v2 =	vld [tilespmem:s15+$0x0]  }
0x29: {  	v3 =	vld [tilespmem:s15+$0x10];
	[tilespmem:s17+$0x770 ss:$0x11] =	vst.msk $0xffff, v0  }
0x2a: {  	v4 =	vld [tilespmem:s15+$0x20];
	[tilespmem:s17+$0x110 ss:$0x11] =	vst.msk $0xffff, v1  }
0x2b: {  	s18 =	sadd.s32 $0x80, s15;
	v0 =	vld [tilespmem:s15+$0xFFFFFFC0];
	[tilespmem:s17+$0x220 ss:$0x11] =	vst.msk $0xffff, v5  }
0x2c: {  	s19 =	simm.s32 $0x4;
	s20 =	simm.s32 $0x8;
	v1 =	vld [tilespmem:s18+$0x30];
	[tilespmem:s17+$0x330 ss:$0x11] =	vst.msk $0xffff, v6  }
.LBB1_4:
0x2d: {  	p1 =	sne.s32 s20, $0x3C;
	v5 =	vld [tilespmem:s18+$0xFFFFFFD0];
	[tilespmem:s17+$0x440 ss:$0x11] =	vst.msk $0xffff, v2  }
0x2e: {  	v6 =	vld [tilespmem:s18+$0xFFFFFFE0];
	[tilespmem:s17+$0x550 ss:$0x11] =	vst.msk $0xffff, v3  }
0x2f: {  	s21 =	sshra.s32 s19, $0x2;
	s19 =	smov.u32 s20;
	v7 =	vld [tilespmem:s18+$0xFFFFFFF0];
	[tilespmem:s17+$0x660 ss:$0x11] =	vst.msk $0xffff, v4  }
.Ltmp3:
0x30: {  	v2 =	vld [tilespmem:s18+$0x0];
	[tilespmem:s17+$0x0 ss:$0x11] =	vst.msk $0xffff, v0;
	s17 =	sadd.s32 s21, s13;
	(pc) =	sbr.rel @p1 .LBB1_4-.Ltmp3, $4  }
0x31: {  	v3 =	vld [tilespmem:s18+$0x10];
	[tilespmem:s17+$0x770 ss:$0x11] =	vst.msk $0xffff, v1  }
0x32: {  	[tilespmem:s17+$0x110 ss:$0x11] =	vst.msk $0xffff, v5;
	v4 =	vld [tilespmem:s18+$0x20]  }
0x33: {  	v0 =	vld [tilespmem:s18+$0xFFFFFFC0];
	[tilespmem:s17+$0x220 ss:$0x11] =	vst.msk $0xffff, v6;
	s18 =	sadd.s32 $0x80, s18  }
0x34: {  	s20 =	sadd.s32 $0x4, s20;
	v1 =	vld [tilespmem:s18+$0x30];
	[tilespmem:s17+$0x330 ss:$0x11] =	vst.msk $0xffff, v7  }
0x35: {  	v5 =	vld [tilespmem:s18+$0xFFFFFFD0];
	[tilespmem:s17+$0x440 ss:$0x11] =	vst.msk $0xffff, v2  }
0x36: {  	v58 =	vld [tilespmem:s18+$0xFFFFFFE0];
	[tilespmem:s17+$0x550 ss:$0x11] =	vst.msk $0xffff, v3  }
0x37: {  	s19 =	sshra.s32 s19, $0x2;
	v59 =	vld [tilespmem:s18+$0xFFFFFFF0];
	[tilespmem:s17+$0x660 ss:$0x11] =	vst.msk $0xffff, v4  }
0x38: {  	v60 =	vld [tilespmem:s18+$0x0];
	s19 =	sadd.s32 s19, s13;
	[tilespmem:s17+$0x0 ss:$0x11] =	vst.msk $0xffff, v0  }
0x39: {  	v61 =	vld [tilespmem:s18+$0x10];
	[tilespmem:s19+$0x770 ss:$0x11] =	vst.msk $0xffff, v1  }
0x3a: {  	v62 =	vld [tilespmem:s18+$0x20];
	s16 =	sadd.s32 $0x1, s16;
	[tilespmem:s19+$0x110 ss:$0x11] =	vst.msk $0xffff, v5  }
0x3b: {  	v63 =	vld [tilespmem:s18+$0xFFFFFFC0];
	p1 =	sne.s32 s16, $0x8;
	[tilespmem:s19+$0x220 ss:$0x11] =	vst.msk $0xffff, v58  }
.Ltmp4:
0x3c: {  	[tilespmem:s19+$0x330 ss:$0x11] =	vst.msk $0xffff, v59;
	(pc) =	sbr.rel @p1 .LBB1_3-.Ltmp4, $4  }
0x3d: {  	[tilespmem:s19+$0x440 ss:$0x11] =	vst.msk $0xffff, v60  }
0x3e: {  	[tilespmem:s19+$0x550 ss:$0x11] =	vst.msk $0xffff, v61  }
0x3f: {  	[tilespmem:s19+$0x660 ss:$0x11] =	vst.msk $0xffff, v62  }
0x40: {  	s15 =	sadd.s32 $0x800, s15;
	s13 =	sadd.s32 $0x880, s13;
	[tilespmem:s19+$0x0 ss:$0x11] =	vst.msk $0xffff, v63  }
.Ltmp5:
0x41: {  	(pc) =	sbr.rel .LBB1_7-.Ltmp5, $4  }
0x42: {  	s12 =	sshll.u32 s12, $0x12  }
0x43: {  	s11 =	sshll.u32 s11, $0xB;
	s12 =	sadd.s32 s3, s12  }
0x44: {  	s11 =	sadd.s32 s11, s12  }
0x45: {  	[hbm4b:s11+s6] =	stream.strided.scatter [tilespmem:s14], [sflag:$0x2], $0x4000, s7, s6, $0x8;
	[tilespmem:$0x10800] =	vst v63  }
.LBB1_8:
0x46: {  	_ =	sfence.sel $0x180000  }
0x47: {  	s2 =	simm.s32 $0x1;
	[bflag:$0x0] =	sbarrier.arrive $0xFFFF  }
0x48: {  	s31 =	simm.s32 $0x2;
	[sflag:s2] =	ssyncpa.u1 $0x1  }
0x49: {  	[sflag:s31] =	ssyncpa.u1 $0x1  }
0x4a: {  	p0 =	sne.s32 s1, $0x0;
	_ =	strace $0x90000047  }
0x4b: {  	s0 =	sadd.s32 @!p0 $0x100000, s0;
	[bflag:$0x2] =	sbarrier.arrive $0xFFFF  }
0x4c: {  	[sflag:s0] =	ssyncadd.tile.s32 @!p0 $0x1;
	_ =	shalt  }
.Lfunc_end1:
_tile_overlayer_lowered:
.L_overlay_start_2:
0x4d: {  	(tag) =	ssettag $0x2  }
0x4e: {  	s0 =	rddreg [dreg:$0x0];
	s2 =	stileid.u32  }
0x4f: {  	s1 =	rddreg [dreg:$0x1];
	p0 =	sne.s32 s2, $0x0  }
0x50: {  	s3 =	rddreg [dreg:$0x2];
	[bflag:$0x3] =	sbarrier.arrive $0xFFFF;
	s2 =	simm.s32 @!p0 $0x1C01  }
0x51: {  	[timem:s3], [sflag:s2] =	dma.local @!p0 [hbm:s0], s1  }
0x52: {  	s0 =	simm.s32 @!p0 $0x1  }
0x53: {  	_ =	swait.ge @!p0 [sflag:s0], s1  }
0x54: {  	s1 =	ssub.s32 @!p0 $0x0, s1;
	[sflag:s0] =	ssyncset.done @!p0 $0x0  }
0x55: {  	[sflag:s0] =	ssyncadd.s32 @!p0 s1  }
0x56: {  	[bflag:$0x3] =	sbarrier.arrive $0xFFFF  }
0x57: {  	_ =	shalt  }

</sc_bundles>
